<compile_context>
chip_gen: v7x
topology: tpu7x:2x2x1
jax: 0.10.2.dev20260603
libtpu: 0.0.44.dev20260713+nightly
codegen_flags: <defaults>
</compile_context>

<pallas_src>
import jax
import jax.numpy as jnp
from jax import lax
from jax.experimental import pallas as pl
from jax.experimental.pallas import tpu as pltpu
from jax.experimental.pallas import tpu_sc as plsc

B = 16384
L = 50
D = 32
NC = 2
NS = 16
NW = NC * NS
PER_W = B // NW
C = 32
NCHUNK = PER_W // C
INV_L = 1.0 / L


def _body(cname_hbm, tsubj_hbm, ctab_hbm, ttab_hbm, out_hbm,
          cidx_v, crow_v, tidx0, tidx1, rows0, rows1, outc_v,
          csem, sem0, sem1):
    wid = lax.axis_index("s") * NC + lax.axis_index("c")
    base = wid * PER_W

    pltpu.sync_copy(cname_hbm.at[pl.ds(base, PER_W)], cidx_v)
    ccopy = pltpu.async_copy(ctab_hbm.at[cidx_v], crow_v, csem)

    def issue(k, tidx, rows, sem):
        pltpu.sync_copy(tsubj_hbm.at[pl.ds((base + k * C) * L, C * L)], tidx)
        return pltpu.async_copy(ttab_hbm.at[tidx], rows, sem)

    def reduce_chunk(k, rows):
        def elem_body(e, _):
            r0 = e * L
            a0 = rows[r0, pl.ds(0, 16)]
            a1 = rows[r0, pl.ds(16, 16)]
            for l in range(1, L):
                a0 = a0 + rows[r0 + l, pl.ds(0, 16)]
                a1 = a1 + rows[r0 + l, pl.ds(16, 16)]
            ce = k * C + e
            outc_v[e, pl.ds(0, 16)] = crow_v[ce, pl.ds(0, 16)]
            outc_v[e, pl.ds(16, 16)] = crow_v[ce, pl.ds(16, 16)]
            outc_v[e, pl.ds(32, 16)] = a0 * INV_L
            outc_v[e, pl.ds(48, 16)] = a1 * INV_L
            return 0

        lax.fori_loop(0, C, elem_body, 0)
        pltpu.sync_copy(outc_v, out_hbm.at[pl.ds(base + k * C, C)])

    issue(0, tidx0, rows0, sem0)
    ccopy.wait()

    def pair_body(p, _):
        ka = 2 * p
        issue(ka + 1, tidx1, rows1, sem1)
        pltpu.make_async_copy(ttab_hbm.at[tidx0], rows0, sem0).wait()
        reduce_chunk(ka, rows0)

        @pl.when(p < NCHUNK // 2 - 1)
        def _():
            issue(ka + 2, tidx0, rows0, sem0)

        pltpu.make_async_copy(ttab_hbm.at[tidx1], rows1, sem1).wait()
        reduce_chunk(ka + 1, rows1)
        return 0

    lax.fori_loop(0, NCHUNK // 2, pair_body, 0)


@jax.jit
def kernel(customer_name, ticket_subject, customer_table, ticket_table):
    tsubj_flat = jnp.reshape(ticket_subject, (B * L,))
    mesh = plsc.VectorSubcoreMesh(core_axis_name="c", subcore_axis_name="s")
    k = pl.kernel(
        _body,
        out_type=jax.ShapeDtypeStruct((B, 2 * D), jnp.float32),
        mesh=mesh,
        scratch_types=[
            pltpu.VMEM((PER_W,), jnp.int32),
            pltpu.VMEM((PER_W, D), jnp.float32),
            pltpu.VMEM((C * L,), jnp.int32),
            pltpu.VMEM((C * L,), jnp.int32),
            pltpu.VMEM((C * L, D), jnp.float32),
            pltpu.VMEM((C * L, D), jnp.float32),
            pltpu.VMEM((C, 2 * D), jnp.float32),
            pltpu.SemaphoreType.DMA,
            pltpu.SemaphoreType.DMA,
            pltpu.SemaphoreType.DMA,
        ],
        compiler_params=pltpu.CompilerParams(use_tc_tiling_on_sc=False),
    )
    return k(customer_name, tsubj_flat, customer_table, ticket_table)

# --- scband reference (transcript-rebuilt; emitter-appended) ---
"""Pipeline reference for scband-customer-model-37598143709568 (READ-ONLY COPY).

The authoritative reference and input builder live on the scoring server;
editing this copy changes nothing except your own understanding.
"""

import jax, jax.numpy as jnp
import numpy as np

B = 16384
CUST_VOCAB = 100001  # len(unique_customer_names) + 1 (StringLookup OOV slot)
TICKET_VOCAB = 10000  # TextVectorization max_tokens
L = 50
D = 32


def setup_inputs(seed: int = 0) -> dict:
    key = jax.random.key(seed)
    k1, k2, k3, k4 = jax.random.split(key, 4)
    customer_name = jax.random.randint(k1, (B,), 0, CUST_VOCAB, dtype=jnp.int64 if jax.config.jax_enable_x64 else jnp.int32).astype(jnp.int32)
    ticket_subject = jax.random.randint(k2, (B, L), 0, TICKET_VOCAB, dtype=jnp.int32)
    customer_table = jax.random.normal(k3, (CUST_VOCAB, D), dtype=jnp.float32) * 0.05
    ticket_table = jax.random.normal(k4, (TICKET_VOCAB, D), dtype=jnp.float32) * 0.05
    return {
        'customer_name': customer_name,
        'ticket_subject': ticket_subject,
        'customer_table': customer_table,
        'ticket_table': ticket_table,
    }


def reference(customer_name, ticket_subject, customer_table, ticket_table):
    # customer_embedding: StringLookup (pre-tokenized to int ids here) -> Embedding
    cust_emb = jnp.take(customer_table, customer_name, axis=0)  # [B, 32]
    # ticket_subject_embedding: TextVectorization (pre-tokenized ids) -> Embedding -> GlobalAveragePooling1D
    tok_emb = jnp.take(ticket_table, ticket_subject, axis=0)    # [B, L, 32]
    subj_emb = jnp.mean(tok_emb, axis=1)                        # [B, 32] (no mask, plain mean like GAP1D without mask_zero)
    return jnp.concatenate([cust_emb, subj_emb], axis=1)        # [B, 64]

if __name__ == "__main__":
    import jax
    _d = setup_inputs()
    print(jax.jit(kernel)(*tuple(_d.values())))

</pallas_src>

<mosaic_0001>
#map = affine_map<(d0, d1) -> (0)>
#map1 = affine_map<(d0, d1) -> (0, 0)>
module attributes {stable_mosaic.version = 14 : i64} {
  func.func @_body(%arg0: i32, %arg1: i32, %arg2: memref<16384xi32, #tpu.memory_space<hbm>>, %arg3: memref<819200xi32, #tpu.memory_space<hbm>>, %arg4: memref<100001x32xf32, #tpu.memory_space<hbm>>, %arg5: memref<10000x32xf32, #tpu.memory_space<hbm>>, %arg6: memref<16384x64xf32, #tpu.memory_space<hbm>>, %arg7: memref<512xi32, #tpu.memory_space<vmem>>, %arg8: memref<512x32xf32, #tpu.memory_space<vmem>>, %arg9: memref<1600xi32, #tpu.memory_space<vmem>>, %arg10: memref<1600xi32, #tpu.memory_space<vmem>>, %arg11: memref<1600x32xf32, #tpu.memory_space<vmem>>, %arg12: memref<1600x32xf32, #tpu.memory_space<vmem>>, %arg13: memref<32x64xf32, #tpu.memory_space<vmem>>, %arg14: memref<!tpu.dma_semaphore, #tpu.memory_space<semaphore_mem>>, %arg15: memref<!tpu.dma_semaphore, #tpu.memory_space<semaphore_mem>>, %arg16: memref<!tpu.dma_semaphore, #tpu.memory_space<semaphore_mem>>) attributes {dimension_semantics = [#tpu.dimension_semantics<core_parallel>, #tpu.dimension_semantics<subcore_parallel>], iteration_bounds = array<i64: 2, 16>, scalar_prefetch = 0 : i64, scratch_operands = 10 : i64, tpu.core_type = #tpu.core_type<sc_vector_subcore>, window_params = [{transform_indices = #map}, {transform_indices = #map}, {transform_indices = #map1}, {transform_indices = #map1}, {transform_indices = #map1}]} {
    %mul3A = arith.constant 2 : i32
    %mul3A_0 = arith.muli %arg1, %mul3A : i32
    %add3A = arith.addi %mul3A_0, %arg0 : i32
    %mul3A_1 = arith.constant 512 : i32
    %mul3A_2 = arith.muli %add3A, %mul3A_1 : i32
    "tpu.region"() ({
      %run_scoped3A = tpu.sem_alloc : memref<!tpu.dma_semaphore, #tpu.memory_space<semaphore_mem>>
      %dma_start3A_20 = tpu.memref_slice %arg2[%mul3A_2] : memref<16384xi32, #tpu.memory_space<hbm>> -> memref<512xi32, #tpu.memory_space<hbm>>
      %dma_start3A_21 = tpu.memref_slice %arg2[%mul3A_2] : memref<16384xi32, #tpu.memory_space<hbm>> -> memref<512xi32, #tpu.memory_space<hbm>>
      tpu.enqueue_dma source(%dma_start3A_21 : memref<512xi32, #tpu.memory_space<hbm>>) target(%arg7 : memref<512xi32, #tpu.memory_space<vmem>>) target_semaphore(%run_scoped3A : memref<!tpu.dma_semaphore, #tpu.memory_space<semaphore_mem>>)
      %dma_wait3A_22 = tpu.memref_slice %arg2[%mul3A_2] : memref<16384xi32, #tpu.memory_space<hbm>> -> memref<512xi32, #tpu.memory_space<hbm>>
      %dma_wait3A_23 = tpu.memref_slice %arg2[%mul3A_2] : memref<16384xi32, #tpu.memory_space<hbm>> -> memref<512xi32, #tpu.memory_space<hbm>>
      tpu.wait_dma2 semaphore(%run_scoped3A : memref<!tpu.dma_semaphore, #tpu.memory_space<semaphore_mem>>) src(%dma_wait3A_23 : memref<512xi32, #tpu.memory_space<hbm>>) dst(%arg7 : memref<512xi32, #tpu.memory_space<vmem>>)
      tpu.yield
    }) : () -> ()
    %dma_start3A = arith.constant 0 : i32
    %dma_start3A_3 = arith.constant 0 : i32
    %dma_start3A_4 = tpu.memref_slice %arg4[%dma_start3A, %dma_start3A_3] : memref<100001x32xf32, #tpu.memory_space<hbm>> -> memref<100001x32xf32, #tpu.memory_space<hbm>>
    tpu.enqueue_indirect_dma source(%dma_start3A_4 : memref<100001x32xf32, #tpu.memory_space<hbm>>) target(%arg8 : memref<512x32xf32, #tpu.memory_space<vmem>>) offsets(%arg7 : memref<512xi32, #tpu.memory_space<vmem>>) semaphore(%arg14 : memref<!tpu.dma_semaphore, #tpu.memory_space<semaphore_mem>>)
    %add3A_5 = arith.constant 0 : i32
    %add3A_6 = arith.addi %mul3A_2, %add3A_5 : i32
    %mul3A_7 = arith.constant 50 : i32
    %mul3A_8 = arith.muli %add3A_6, %mul3A_7 : i32
    "tpu.region"() ({
      %run_scoped3A = tpu.sem_alloc : memref<!tpu.dma_semaphore, #tpu.memory_space<semaphore_mem>>
      %dma_start3A_20 = tpu.memref_slice %arg3[%mul3A_8] : memref<819200xi32, #tpu.memory_space<hbm>> -> memref<1600xi32, #tpu.memory_space<hbm>>
      %dma_start3A_21 = tpu.memref_slice %arg3[%mul3A_8] : memref<819200xi32, #tpu.memory_space<hbm>> -> memref<1600xi32, #tpu.memory_space<hbm>>
      tpu.enqueue_dma source(%dma_start3A_21 : memref<1600xi32, #tpu.memory_space<hbm>>) target(%arg9 : memref<1600xi32, #tpu.memory_space<vmem>>) target_semaphore(%run_scoped3A : memref<!tpu.dma_semaphore, #tpu.memory_space<semaphore_mem>>)
      %dma_wait3A_22 = tpu.memref_slice %arg3[%mul3A_8] : memref<819200xi32, #tpu.memory_space<hbm>> -> memref<1600xi32, #tpu.memory_space<hbm>>
      %dma_wait3A_23 = tpu.memref_slice %arg3[%mul3A_8] : memref<819200xi32, #tpu.memory_space<hbm>> -> memref<1600xi32, #tpu.memory_space<hbm>>
      tpu.wait_dma2 semaphore(%run_scoped3A : memref<!tpu.dma_semaphore, #tpu.memory_space<semaphore_mem>>) src(%dma_wait3A_23 : memref<1600xi32, #tpu.memory_space<hbm>>) dst(%arg9 : memref<1600xi32, #tpu.memory_space<vmem>>)
      tpu.yield
    }) : () -> ()
    %dma_start3A_9 = arith.constant 0 : i32
    %dma_start3A_10 = arith.constant 0 : i32
    %dma_start3A_11 = tpu.memref_slice %arg5[%dma_start3A_9, %dma_start3A_10] : memref<10000x32xf32, #tpu.memory_space<hbm>> -> memref<10000x32xf32, #tpu.memory_space<hbm>>
    tpu.enqueue_indirect_dma source(%dma_start3A_11 : memref<10000x32xf32, #tpu.memory_space<hbm>>) target(%arg11 : memref<1600x32xf32, #tpu.memory_space<vmem>>) offsets(%arg9 : memref<1600xi32, #tpu.memory_space<vmem>>) semaphore(%arg15 : memref<!tpu.dma_semaphore, #tpu.memory_space<semaphore_mem>>)
    %dma_wait3A = arith.constant 0 : i32
    %dma_wait3A_12 = arith.constant 0 : i32
    %dma_wait3A_13 = tpu.memref_slice %arg4[%dma_wait3A, %dma_wait3A_12] : memref<100001x32xf32, #tpu.memory_space<hbm>> -> memref<100001x32xf32, #tpu.memory_space<hbm>>
    tpu.wait_indirect_dma semaphore(%arg14 : memref<!tpu.dma_semaphore, #tpu.memory_space<semaphore_mem>>) src(%dma_wait3A_13 : memref<100001x32xf32, #tpu.memory_space<hbm>>) dst(%arg8 : memref<512x32xf32, #tpu.memory_space<vmem>>)
    %scan3A = arith.constant 0 : i32
    %scan3A_14 = arith.constant 0 : i32
    %scan3A_15 = arith.constant 8 : i32
    %scan3A_16 = arith.addi %scan3A_14, %scan3A_15 : i32
    %scan3A_17 = arith.constant 1 : i32
    %scan3A_18 = scf.for %scan3A_20 = %scan3A_14 to %scan3A_16 step %scan3A_17 iter_args(%scan3A_21 = %scan3A) -> (i32)  : i32 {
      %mul3A_22 = arith.constant 2 : i32
      %mul3A_23 = arith.muli %mul3A_22, %scan3A_20 : i32
      %add3A_24 = arith.constant 1 : i32
      %add3A_25 = arith.addi %mul3A_23, %add3A_24 : i32
      %mul3A_26 = arith.constant 32 : i32
      %mul3A_27 = arith.muli %add3A_25, %mul3A_26 : i32
      %add3A_28 = arith.addi %mul3A_2, %mul3A_27 : i32
      %mul3A_29 = arith.constant 50 : i32
      %mul3A_30 = arith.muli %add3A_28, %mul3A_29 : i32
      "tpu.region"() ({
        %run_scoped3A = tpu.sem_alloc : memref<!tpu.dma_semaphore, #tpu.memory_space<semaphore_mem>>
        %dma_start3A_65 = tpu.memref_slice %arg3[%mul3A_30] : memref<819200xi32, #tpu.memory_space<hbm>> -> memref<1600xi32, #tpu.memory_space<hbm>>
        %dma_start3A_66 = tpu.memref_slice %arg3[%mul3A_30] : memref<819200xi32, #tpu.memory_space<hbm>> -> memref<1600xi32, #tpu.memory_space<hbm>>
        tpu.enqueue_dma source(%dma_start3A_66 : memref<1600xi32, #tpu.memory_space<hbm>>) target(%arg10 : memref<1600xi32, #tpu.memory_space<vmem>>) target_semaphore(%run_scoped3A : memref<!tpu.dma_semaphore, #tpu.memory_space<semaphore_mem>>)
        %dma_wait3A_67 = tpu.memref_slice %arg3[%mul3A_30] : memref<819200xi32, #tpu.memory_space<hbm>> -> memref<1600xi32, #tpu.memory_space<hbm>>
        %dma_wait3A_68 = tpu.memref_slice %arg3[%mul3A_30] : memref<819200xi32, #tpu.memory_space<hbm>> -> memref<1600xi32, #tpu.memory_space<hbm>>
        tpu.wait_dma2 semaphore(%run_scoped3A : memref<!tpu.dma_semaphore, #tpu.memory_space<semaphore_mem>>) src(%dma_wait3A_68 : memref<1600xi32, #tpu.memory_space<hbm>>) dst(%arg10 : memref<1600xi32, #tpu.memory_space<vmem>>)
        tpu.yield
      }) : () -> ()
      %dma_start3A_31 = arith.constant 0 : i32
      %dma_start3A_32 = arith.constant 0 : i32
      %dma_start3A_33 = tpu.memref_slice %arg5[%dma_start3A_31, %dma_start3A_32] : memref<10000x32xf32, #tpu.memory_space<hbm>> -> memref<10000x32xf32, #tpu.memory_space<hbm>>
      tpu.enqueue_indirect_dma source(%dma_start3A_33 : memref<10000x32xf32, #tpu.memory_space<hbm>>) target(%arg12 : memref<1600x32xf32, #tpu.memory_space<vmem>>) offsets(%arg10 : memref<1600xi32, #tpu.memory_space<vmem>>) semaphore(%arg16 : memref<!tpu.dma_semaphore, #tpu.memory_space<semaphore_mem>>)
      %dma_wait3A_34 = arith.constant 0 : i32
      %dma_wait3A_35 = arith.constant 0 : i32
      %dma_wait3A_36 = tpu.memref_slice %arg5[%dma_wait3A_34, %dma_wait3A_35] : memref<10000x32xf32, #tpu.memory_space<hbm>> -> memref<10000x32xf32, #tpu.memory_space<hbm>>
      tpu.wait_indirect_dma semaphore(%arg15 : memref<!tpu.dma_semaphore, #tpu.memory_space<semaphore_mem>>) src(%dma_wait3A_36 : memref<10000x32xf32, #tpu.memory_space<hbm>>) dst(%arg11 : memref<1600x32xf32, #tpu.memory_space<vmem>>)
      %scan3A_37 = arith.constant 0 : i32
      %scan3A_38 = arith.constant 0 : i32
      %scan3A_39 = arith.constant 32 : i32
      %scan3A_40 = arith.addi %scan3A_38, %scan3A_39 : i32
      %scan3A_41 = arith.constant 1 : i32
      %scan3A_42 = scf.for %scan3A_65 = %scan3A_38 to %scan3A_40 step %scan3A_41 iter_args(%scan3A_66 = %scan3A_37) -> (i32)  : i32 {
        %mul3A_67 = arith.constant 50 : i32
        %mul3A_68 = arith.muli %scan3A_65, %mul3A_67 : i32
        %get3A = arith.index_cast %mul3A_68 : i32 to index
        %get3A_69 = arith.constant 0 : index
        %get3A_70 = tpu.vector_load %arg11[%get3A, %get3A_69] {strides = array<i32>} : memref<1600x32xf32, #tpu.memory_space<vmem>>, vector<1x16xf32>,
        %get3A_71 = vector.shape_cast %get3A_70 : vector<1x16xf32> to vector<16xf32>
        %get3A_72 = arith.index_cast %mul3A_68 : i32 to index
        %get3A_73 = arith.constant 16 : index
        %get3A_74 = tpu.vector_load %arg11[%get3A_72, %get3A_73] {strides = array<i32>} : memref<1600x32xf32, #tpu.memory_space<vmem>>, vector<1x16xf32>,
        %get3A_75 = vector.shape_cast %get3A_74 : vector<1x16xf32> to vector<16xf32>
        %add3A_76 = arith.constant 1 : i32
        %add3A_77 = arith.addi %mul3A_68, %add3A_76 : i32
        %get3A_78 = arith.index_cast %add3A_77 : i32 to index
        %get3A_79 = arith.constant 0 : index
        %get3A_80 = tpu.vector_load %arg11[%get3A_78, %get3A_79] {strides = array<i32>} : memref<1600x32xf32, #tpu.memory_space<vmem>>, vector<1x16xf32>,
        %get3A_81 = vector.shape_cast %get3A_80 : vector<1x16xf32> to vector<16xf32>
        %add3A_82 = arith.addf %get3A_71, %get3A_81 : vector<16xf32>
        %add3A_83 = arith.constant 1 : i32
        %add3A_84 = arith.addi %mul3A_68, %add3A_83 : i32
        %get3A_85 = arith.index_cast %add3A_84 : i32 to index
        %get3A_86 = arith.constant 16 : index
        %get3A_87 = tpu.vector_load %arg11[%get3A_85, %get3A_86] {strides = array<i32>} : memref<1600x32xf32, #tpu.memory_space<vmem>>, vector<1x16xf32>,
        %get3A_88 = vector.shape_cast %get3A_87 : vector<1x16xf32> to vector<16xf32>
        %add3A_89 = arith.addf %get3A_75, %get3A_88 : vector<16xf32>
        %add3A_90 = arith.constant 2 : i32
        %add3A_91 = arith.addi %mul3A_68, %add3A_90 : i32
        %get3A_92 = arith.index_cast %add3A_91 : i32 to index
        %get3A_93 = arith.constant 0 : index
        %get3A_94 = tpu.vector_load %arg11[%get3A_92, %get3A_93] {strides = array<i32>} : memref<1600x32xf32, #tpu.memory_space<vmem>>, vector<1x16xf32>,
        %get3A_95 = vector.shape_cast %get3A_94 : vector<1x16xf32> to vector<16xf32>
        %add3A_96 = arith.addf %add3A_82, %get3A_95 : vector<16xf32>
        %add3A_97 = arith.constant 2 : i32
        %add3A_98 = arith.addi %mul3A_68, %add3A_97 : i32
        %get3A_99 = arith.index_cast %add3A_98 : i32 to index
        %get3A_100 = arith.constant 16 : index
        %get3A_101 = tpu.vector_load %arg11[%get3A_99, %get3A_100] {strides = array<i32>} : memref<1600x32xf32, #tpu.memory_space<vmem>>, vector<1x16xf32>,
        %get3A_102 = vector.shape_cast %get3A_101 : vector<1x16xf32> to vector<16xf32>
        %add3A_103 = arith.addf %add3A_89, %get3A_102 : vector<16xf32>
        %add3A_104 = arith.constant 3 : i32
        %add3A_105 = arith.addi %mul3A_68, %add3A_104 : i32
        %get3A_106 = arith.index_cast %add3A_105 : i32 to index
        %get3A_107 = arith.constant 0 : index
        %get3A_108 = tpu.vector_load %arg11[%get3A_106, %get3A_107] {strides = array<i32>} : memref<1600x32xf32, #tpu.memory_space<vmem>>, vector<1x16xf32>,
        %get3A_109 = vector.shape_cast %get3A_108 : vector<1x16xf32> to vector<16xf32>
        %add3A_110 = arith.addf %add3A_96, %get3A_109 : vector<16xf32>
        %add3A_111 = arith.constant 3 : i32
        %add3A_112 = arith.addi %mul3A_68, %add3A_111 : i32
        %get3A_113 = arith.index_cast %add3A_112 : i32 to index
        %get3A_114 = arith.constant 16 : index
        %get3A_115 = tpu.vector_load %arg11[%get3A_113, %get3A_114] {strides = array<i32>} : memref<1600x32xf32, #tpu.memory_space<vmem>>, vector<1x16xf32>,
        %get3A_116 = vector.shape_cast %get3A_115 : vector<1x16xf32> to vector<16xf32>
        %add3A_117 = arith.addf %add3A_103, %get3A_116 : vector<16xf32>
        %add3A_118 = arith.constant 4 : i32
        %add3A_119 = arith.addi %mul3A_68, %add3A_118 : i32
        %get3A_120 = arith.index_cast %add3A_119 : i32 to index
        %get3A_121 = arith.constant 0 : index
        %get3A_122 = tpu.vector_load %arg11[%get3A_120, %get3A_121] {strides = array<i32>} : memref<1600x32xf32, #tpu.memory_space<vmem>>, vector<1x16xf32>,
        %get3A_123 = vector.shape_cast %get3A_122 : vector<1x16xf32> to vector<16xf32>
        %add3A_124 = arith.addf %add3A_110, %get3A_123 : vector<16xf32>
        %add3A_125 = arith.constant 4 : i32
        %add3A_126 = arith.addi %mul3A_68, %add3A_125 : i32
        %get3A_127 = arith.index_cast %add3A_126 : i32 to index
        %get3A_128 = arith.constant 16 : index
        %get3A_129 = tpu.vector_load %arg11[%get3A_127, %get3A_128] {strides = array<i32>} : memref<1600x32xf32, #tpu.memory_space<vmem>>, vector<1x16xf32>,
        %get3A_130 = vector.shape_cast %get3A_129 : vector<1x16xf32> to vector<16xf32>
        %add3A_131 = arith.addf %add3A_117, %get3A_130 : vector<16xf32>
        %add3A_132 = arith.constant 5 : i32
        %add3A_133 = arith.addi %mul3A_68, %add3A_132 : i32
        %get3A_134 = arith.index_cast %add3A_133 : i32 to index
        %get3A_135 = arith.constant 0 : index
        %get3A_136 = tpu.vector_load %arg11[%get3A_134, %get3A_135] {strides = array<i32>} : memref<1600x32xf32, #tpu.memory_space<vmem>>, vector<1x16xf32>,
        %get3A_137 = vector.shape_cast %get3A_136 : vector<1x16xf32> to vector<16xf32>
        %add3A_138 = arith.addf %add3A_124, %get3A_137 : vector<16xf32>
        %add3A_139 = arith.constant 5 : i32
        %add3A_140 = arith.addi %mul3A_68, %add3A_139 : i32
        %get3A_141 = arith.index_cast %add3A_140 : i32 to index
        %get3A_142 = arith.constant 16 : index
        %get3A_143 = tpu.vector_load %arg11[%get3A_141, %get3A_142] {strides = array<i32>} : memref<1600x32xf32, #tpu.memory_space<vmem>>, vector<1x16xf32>,
        %get3A_144 = vector.shape_cast %get3A_143 : vector<1x16xf32> to vector<16xf32>
        %add3A_145 = arith.addf %add3A_131, %get3A_144 : vector<16xf32>
        %add3A_146 = arith.constant 6 : i32
        %add3A_147 = arith.addi %mul3A_68, %add3A_146 : i32
        %get3A_148 = arith.index_cast %add3A_147 : i32 to index
        %get3A_149 = arith.constant 0 : index
        %get3A_150 = tpu.vector_load %arg11[%get3A_148, %get3A_149] {strides = array<i32>} : memref<1600x32xf32, #tpu.memory_space<vmem>>, vector<1x16xf32>,
        %get3A_151 = vector.shape_cast %get3A_150 : vector<1x16xf32> to vector<16xf32>
        %add3A_152 = arith.addf %add3A_138, %get3A_151 : vector<16xf32>
        %add3A_153 = arith.constant 6 : i32
        %add3A_154 = arith.addi %mul3A_68, %add3A_153 : i32
        %get3A_155 = arith.index_cast %add3A_154 : i32 to index
        %get3A_156 = arith.constant 16 : index
        %get3A_157 = tpu.vector_load %arg11[%get3A_155, %get3A_156] {strides = array<i32>} : memref<1600x32xf32, #tpu.memory_space<vmem>>, vector<1x16xf32>,
        %get3A_158 = vector.shape_cast %get3A_157 : vector<1x16xf32> to vector<16xf32>
        %add3A_159 = arith.addf %add3A_145, %get3A_158 : vector<16xf32>
        %add3A_160 = arith.constant 7 : i32
        %add3A_161 = arith.addi %mul3A_68, %add3A_160 : i32
        %get3A_162 = arith.index_cast %add3A_161 : i32 to index
        %get3A_163 = arith.constant 0 : index
        %get3A_164 = tpu.vector_load %arg11[%get3A_162, %get3A_163] {strides = array<i32>} : memref<1600x32xf32, #tpu.memory_space<vmem>>, vector<1x16xf32>,
        %get3A_165 = vector.shape_cast %get3A_164 : vector<1x16xf32> to vector<16xf32>
        %add3A_166 = arith.addf %add3A_152, %get3A_165 : vector<16xf32>
        %add3A_167 = arith.constant 7 : i32
        %add3A_168 = arith.addi %mul3A_68, %add3A_167 : i32
        %get3A_169 = arith.index_cast %add3A_168 : i32 to index
        %get3A_170 = arith.constant 16 : index
        %get3A_171 = tpu.vector_load %arg11[%get3A_169, %get3A_170] {strides = array<i32>} : memref<1600x32xf32, #tpu.memory_space<vmem>>, vector<1x16xf32>,
        %get3A_172 = vector.shape_cast %get3A_171 : vector<1x16xf32> to vector<16xf32>
        %add3A_173 = arith.addf %add3A_159, %get3A_172 : vector<16xf32>
        %add3A_174 = arith.constant 8 : i32
        %add3A_175 = arith.addi %mul3A_68, %add3A_174 : i32
        %get3A_176 = arith.index_cast %add3A_175 : i32 to index
        %get3A_177 = arith.constant 0 : index
        %get3A_178 = tpu.vector_load %arg11[%get3A_176, %get3A_177] {strides = array<i32>} : memref<1600x32xf32, #tpu.memory_space<vmem>>, vector<1x16xf32>,
        %get3A_179 = vector.shape_cast %get3A_178 : vector<1x16xf32> to vector<16xf32>
        %add3A_180 = arith.addf %add3A_166, %get3A_179 : vector<16xf32>
        %add3A_181 = arith.constant 8 : i32
        %add3A_182 = arith.addi %mul3A_68, %add3A_181 : i32
        %get3A_183 = arith.index_cast %add3A_182 : i32 to index
        %get3A_184 = arith.constant 16 : index
        %get3A_185 = tpu.vector_load %arg11[%get3A_183, %get3A_184] {strides = array<i32>} : memref<1600x32xf32, #tpu.memory_space<vmem>>, vector<1x16xf32>,
        %get3A_186 = vector.shape_cast %get3A_185 : vector<1x16xf32> to vector<16xf32>
        %add3A_187 = arith.addf %add3A_173, %get3A_186 : vector<16xf32>
        %add3A_188 = arith.constant 9 : i32
        %add3A_189 = arith.addi %mul3A_68, %add3A_188 : i32
        %get3A_190 = arith.index_cast %add3A_189 : i32 to index
        %get3A_191 = arith.constant 0 : index
        %get3A_192 = tpu.vector_load %arg11[%get3A_190, %get3A_191] {strides = array<i32>} : memref<1600x32xf32, #tpu.memory_space<vmem>>, vector<1x16xf32>,
        %get3A_193 = vector.shape_cast %get3A_192 : vector<1x16xf32> to vector<16xf32>
        %add3A_194 = arith.addf %add3A_180, %get3A_193 : vector<16xf32>
        %add3A_195 = arith.constant 9 : i32
        %add3A_196 = arith.addi %mul3A_68, %add3A_195 : i32
        %get3A_197 = arith.index_cast %add3A_196 : i32 to index
        %get3A_198 = arith.constant 16 : index
        %get3A_199 = tpu.vector_load %arg11[%get3A_197, %get3A_198] {strides = array<i32>} : memref<1600x32xf32, #tpu.memory_space<vmem>>, vector<1x16xf32>,
        %get3A_200 = vector.shape_cast %get3A_199 : vector<1x16xf32> to vector<16xf32>
        %add3A_201 = arith.addf %add3A_187, %get3A_200 : vector<16xf32>
        %add3A_202 = arith.constant 10 : i32
        %add3A_203 = arith.addi %mul3A_68, %add3A_202 : i32
        %get3A_204 = arith.index_cast %add3A_203 : i32 to index
        %get3A_205 = arith.constant 0 : index
        %get3A_206 = tpu.vector_load %arg11[%get3A_204, %get3A_205] {strides = array<i32>} : memref<1600x32xf32, #tpu.memory_space<vmem>>, vector<1x16xf32>,
        %get3A_207 = vector.shape_cast %get3A_206 : vector<1x16xf32> to vector<16xf32>
        %add3A_208 = arith.addf %add3A_194, %get3A_207 : vector<16xf32>
        %add3A_209 = arith.constant 10 : i32
        %add3A_210 = arith.addi %mul3A_68, %add3A_209 : i32
        %get3A_211 = arith.index_cast %add3A_210 : i32 to index
        %get3A_212 = arith.constant 16 : index
        %get3A_213 = tpu.vector_load %arg11[%get3A_211, %get3A_212] {strides = array<i32>} : memref<1600x32xf32, #tpu.memory_space<vmem>>, vector<1x16xf32>,
        %get3A_214 = vector.shape_cast %get3A_213 : vector<1x16xf32> to vector<16xf32>
        %add3A_215 = arith.addf %add3A_201, %get3A_214 : vector<16xf32>
        %add3A_216 = arith.constant 11 : i32
        %add3A_217 = arith.addi %mul3A_68, %add3A_216 : i32
        %get3A_218 = arith.index_cast %add3A_217 : i32 to index
        %get3A_219 = arith.constant 0 : index
        %get3A_220 = tpu.vector_load %arg11[%get3A_218, %get3A_219] {strides = array<i32>} : memref<1600x32xf32, #tpu.memory_space<vmem>>, vector<1x16xf32>,
        %get3A_221 = vector.shape_cast %get3A_220 : vector<1x16xf32> to vector<16xf32>
        %add3A_222 = arith.addf %add3A_208, %get3A_221 : vector<16xf32>
        %add3A_223 = arith.constant 11 : i32
        %add3A_224 = arith.addi %mul3A_68, %add3A_223 : i32
        %get3A_225 = arith.index_cast %add3A_224 : i32 to index
        %get3A_226 = arith.constant 16 : index
        %get3A_227 = tpu.vector_load %arg11[%get3A_225, %get3A_226] {strides = array<i32>} : memref<1600x32xf32, #tpu.memory_space<vmem>>, vector<1x16xf32>,
        %get3A_228 = vector.shape_cast %get3A_227 : vector<1x16xf32> to vector<16xf32>
        %add3A_229 = arith.addf %add3A_215, %get3A_228 : vector<16xf32>
        %add3A_230 = arith.constant 12 : i32
        %add3A_231 = arith.addi %mul3A_68, %add3A_230 : i32
        %get3A_232 = arith.index_cast %add3A_231 : i32 to index
        %get3A_233 = arith.constant 0 : index
        %get3A_234 = tpu.vector_load %arg11[%get3A_232, %get3A_233] {strides = array<i32>} : memref<1600x32xf32, #tpu.memory_space<vmem>>, vector<1x16xf32>,
        %get3A_235 = vector.shape_cast %get3A_234 : vector<1x16xf32> to vector<16xf32>
        %add3A_236 = arith.addf %add3A_222, %get3A_235 : vector<16xf32>
        %add3A_237 = arith.constant 12 : i32
        %add3A_238 = arith.addi %mul3A_68, %add3A_237 : i32
        %get3A_239 = arith.index_cast %add3A_238 : i32 to index
        %get3A_240 = arith.constant 16 : index
        %get3A_241 = tpu.vector_load %arg11[%get3A_239, %get3A_240] {strides = array<i32>} : memref<1600x32xf32, #tpu.memory_space<vmem>>, vector<1x16xf32>,
        %get3A_242 = vector.shape_cast %get3A_241 : vector<1x16xf32> to vector<16xf32>
        %add3A_243 = arith.addf %add3A_229, %get3A_242 : vector<16xf32>
        %add3A_244 = arith.constant 13 : i32
        %add3A_245 = arith.addi %mul3A_68, %add3A_244 : i32
        %get3A_246 = arith.index_cast %add3A_245 : i32 to index
        %get3A_247 = arith.constant 0 : index
        %get3A_248 = tpu.vector_load %arg11[%get3A_246, %get3A_247] {strides = array<i32>} : memref<1600x32xf32, #tpu.memory_space<vmem>>, vector<1x16xf32>,
        %get3A_249 = vector.shape_cast %get3A_248 : vector<1x16xf32> to vector<16xf32>
        %add3A_250 = arith.addf %add3A_236, %get3A_249 : vector<16xf32>
        %add3A_251 = arith.constant 13 : i32
        %add3A_252 = arith.addi %mul3A_68, %add3A_251 : i32
        %get3A_253 = arith.index_cast %add3A_252 : i32 to index
        %get3A_254 = arith.constant 16 : index
        %get3A_255 = tpu.vector_load %arg11[%get3A_253, %get3A_254] {strides = array<i32>} : memref<1600x32xf32, #tpu.memory_space<vmem>>, vector<1x16xf32>,
        %get3A_256 = vector.shape_cast %get3A_255 : vector<1x16xf32> to vector<16xf32>
        %add3A_257 = arith.addf %add3A_243, %get3A_256 : vector<16xf32>
        %add3A_258 = arith.constant 14 : i32
        %add3A_259 = arith.addi %mul3A_68, %add3A_258 : i32
        %get3A_260 = arith.index_cast %add3A_259 : i32 to index
        %get3A_261 = arith.constant 0 : index
        %get3A_262 = tpu.vector_load %arg11[%get3A_260, %get3A_261] {strides = array<i32>} : memref<1600x32xf32, #tpu.memory_space<vmem>>, vector<1x16xf32>,
        %get3A_263 = vector.shape_cast %get3A_262 : vector<1x16xf32> to vector<16xf32>
        %add3A_264 = arith.addf %add3A_250, %get3A_263 : vector<16xf32>
        %add3A_265 = arith.constant 14 : i32
        %add3A_266 = arith.addi %mul3A_68, %add3A_265 : i32
        %get3A_267 = arith.index_cast %add3A_266 : i32 to index
        %get3A_268 = arith.constant 16 : index
        %get3A_269 = tpu.vector_load %arg11[%get3A_267, %get3A_268] {strides = array<i32>} : memref<1600x32xf32, #tpu.memory_space<vmem>>, vector<1x16xf32>,
        %get3A_270 = vector.shape_cast %get3A_269 : vector<1x16xf32> to vector<16xf32>
        %add3A_271 = arith.addf %add3A_257, %get3A_270 : vector<16xf32>
        %add3A_272 = arith.constant 15 : i32
        %add3A_273 = arith.addi %mul3A_68, %add3A_272 : i32
        %get3A_274 = arith.index_cast %add3A_273 : i32 to index
        %get3A_275 = arith.constant 0 : index
        %get3A_276 = tpu.vector_load %arg11[%get3A_274, %get3A_275] {strides = array<i32>} : memref<1600x32xf32, #tpu.memory_space<vmem>>, vector<1x16xf32>,
        %get3A_277 = vector.shape_cast %get3A_276 : vector<1x16xf32> to vector<16xf32>
        %add3A_278 = arith.addf %add3A_264, %get3A_277 : vector<16xf32>
        %add3A_279 = arith.constant 15 : i32
        %add3A_280 = arith.addi %mul3A_68, %add3A_279 : i32
        %get3A_281 = arith.index_cast %add3A_280 : i32 to index
        %get3A_282 = arith.constant 16 : index
        %get3A_283 = tpu.vector_load %arg11[%get3A_281, %get3A_282] {strides = array<i32>} : memref<1600x32xf32, #tpu.memory_space<vmem>>, vector<1x16xf32>,
        %get3A_284 = vector.shape_cast %get3A_283 : vector<1x16xf32> to vector<16xf32>
        %add3A_285 = arith.addf %add3A_271, %get3A_284 : vector<16xf32>
        %add3A_286 = arith.constant 16 : i32
        %add3A_287 = arith.addi %mul3A_68, %add3A_286 : i32
        %get3A_288 = arith.index_cast %add3A_287 : i32 to index
        %get3A_289 = arith.constant 0 : index
        %get3A_290 = tpu.vector_load %arg11[%get3A_288, %get3A_289] {strides = array<i32>} : memref<1600x32xf32, #tpu.memory_space<vmem>>, vector<1x16xf32>,
        %get3A_291 = vector.shape_cast %get3A_290 : vector<1x16xf32> to vector<16xf32>
        %add3A_292 = arith.addf %add3A_278, %get3A_291 : vector<16xf32>
        %add3A_293 = arith.constant 16 : i32
        %add3A_294 = arith.addi %mul3A_68, %add3A_293 : i32
        %get3A_295 = arith.index_cast %add3A_294 : i32 to index
        %get3A_296 = arith.constant 16 : index
        %get3A_297 = tpu.vector_load %arg11[%get3A_295, %get3A_296] {strides = array<i32>} : memref<1600x32xf32, #tpu.memory_space<vmem>>, vector<1x16xf32>,
        %get3A_298 = vector.shape_cast %get3A_297 : vector<1x16xf32> to vector<16xf32>
        %add3A_299 = arith.addf %add3A_285, %get3A_298 : vector<16xf32>
        %add3A_300 = arith.constant 17 : i32
        %add3A_301 = arith.addi %mul3A_68, %add3A_300 : i32
        %get3A_302 = arith.index_cast %add3A_301 : i32 to index
        %get3A_303 = arith.constant 0 : index
        %get3A_304 = tpu.vector_load %arg11[%get3A_302, %get3A_303] {strides = array<i32>} : memref<1600x32xf32, #tpu.memory_space<vmem>>, vector<1x16xf32>,
        %get3A_305 = vector.shape_cast %get3A_304 : vector<1x16xf32> to vector<16xf32>
        %add3A_306 = arith.addf %add3A_292, %get3A_305 : vector<16xf32>
        %add3A_307 = arith.constant 17 : i32
        %add3A_308 = arith.addi %mul3A_68, %add3A_307 : i32
        %get3A_309 = arith.index_cast %add3A_308 : i32 to index
        %get3A_310 = arith.constant 16 : index
        %get3A_311 = tpu.vector_load %arg11[%get3A_309, %get3A_310] {strides = array<i32>} : memref<1600x32xf32, #tpu.memory_space<vmem>>, vector<1x16xf32>,
        %get3A_312 = vector.shape_cast %get3A_311 : vector<1x16xf32> to vector<16xf32>
        %add3A_313 = arith.addf %add3A_299, %get3A_312 : vector<16xf32>
        %add3A_314 = arith.constant 18 : i32
        %add3A_315 = arith.addi %mul3A_68, %add3A_314 : i32
        %get3A_316 = arith.index_cast %add3A_315 : i32 to index
        %get3A_317 = arith.constant 0 : index
        %get3A_318 = tpu.vector_load %arg11[%get3A_316, %get3A_317] {strides = array<i32>} : memref<1600x32xf32, #tpu.memory_space<vmem>>, vector<1x16xf32>,
        %get3A_319 = vector.shape_cast %get3A_318 : vector<1x16xf32> to vector<16xf32>
        %add3A_320 = arith.addf %add3A_306, %get3A_319 : vector<16xf32>
        %add3A_321 = arith.constant 18 : i32
        %add3A_322 = arith.addi %mul3A_68, %add3A_321 : i32
        %get3A_323 = arith.index_cast %add3A_322 : i32 to index
        %get3A_324 = arith.constant 16 : index
        %get3A_325 = tpu.vector_load %arg11[%get3A_323, %get3A_324] {strides = array<i32>} : memref<1600x32xf32, #tpu.memory_space<vmem>>, vector<1x16xf32>,
        %get3A_326 = vector.shape_cast %get3A_325 : vector<1x16xf32> to vector<16xf32>
        %add3A_327 = arith.addf %add3A_313, %get3A_326 : vector<16xf32>
        %add3A_328 = arith.constant 19 : i32
        %add3A_329 = arith.addi %mul3A_68, %add3A_328 : i32
        %get3A_330 = arith.index_cast %add3A_329 : i32 to index
        %get3A_331 = arith.constant 0 : index
        %get3A_332 = tpu.vector_load %arg11[%get3A_330, %get3A_331] {strides = array<i32>} : memref<1600x32xf32, #tpu.memory_space<vmem>>, vector<1x16xf32>,
        %get3A_333 = vector.shape_cast %get3A_332 : vector<1x16xf32> to vector<16xf32>
        %add3A_334 = arith.addf %add3A_320, %get3A_333 : vector<16xf32>
        %add3A_335 = arith.constant 19 : i32
        %add3A_336 = arith.addi %mul3A_68, %add3A_335 : i32
        %get3A_337 = arith.index_cast %add3A_336 : i32 to index
        %get3A_338 = arith.constant 16 : index
        %get3A_339 = tpu.vector_load %arg11[%get3A_337, %get3A_338] {strides = array<i32>} : memref<1600x32xf32, #tpu.memory_space<vmem>>, vector<1x16xf32>,
        %get3A_340 = vector.shape_cast %get3A_339 : vector<1x16xf32> to vector<16xf32>
        %add3A_341 = arith.addf %add3A_327, %get3A_340 : vector<16xf32>
        %add3A_342 = arith.constant 20 : i32
        %add3A_343 = arith.addi %mul3A_68, %add3A_342 : i32
        %get3A_344 = arith.index_cast %add3A_343 : i32 to index
        %get3A_345 = arith.constant 0 : index
        %get3A_346 = tpu.vector_load %arg11[%get3A_344, %get3A_345] {strides = array<i32>} : memref<1600x32xf32, #tpu.memory_space<vmem>>, vector<1x16xf32>,
        %get3A_347 = vector.shape_cast %get3A_346 : vector<1x16xf32> to vector<16xf32>
        %add3A_348 = arith.addf %add3A_334, %get3A_347 : vector<16xf32>
        %add3A_349 = arith.constant 20 : i32
        %add3A_350 = arith.addi %mul3A_68, %add3A_349 : i32
        %get3A_351 = arith.index_cast %add3A_350 : i32 to index
        %get3A_352 = arith.constant 16 : index
        %get3A_353 = tpu.vector_load %arg11[%get3A_351, %get3A_352] {strides = array<i32>} : memref<1600x32xf32, #tpu.memory_space<vmem>>, vector<1x16xf32>,
        %get3A_354 = vector.shape_cast %get3A_353 : vector<1x16xf32> to vector<16xf32>
        %add3A_355 = arith.addf %add3A_341, %get3A_354 : vector<16xf32>
        %add3A_356 = arith.constant 21 : i32
        %add3A_357 = arith.addi %mul3A_68, %add3A_356 : i32
        %get3A_358 = arith.index_cast %add3A_357 : i32 to index
        %get3A_359 = arith.constant 0 : index
        %get3A_360 = tpu.vector_load %arg11[%get3A_358, %get3A_359] {strides = array<i32>} : memref<1600x32xf32, #tpu.memory_space<vmem>>, vector<1x16xf32>,
        %get3A_361 = vector.shape_cast %get3A_360 : vector<1x16xf32> to vector<16xf32>
        %add3A_362 = arith.addf %add3A_348, %get3A_361 : vector<16xf32>
        %add3A_363 = arith.constant 21 : i32
        %add3A_364 = arith.addi %mul3A_68, %add3A_363 : i32
        %get3A_365 = arith.index_cast %add3A_364 : i32 to index
        %get3A_366 = arith.constant 16 : index
        %get3A_367 = tpu.vector_load %arg11[%get3A_365, %get3A_366] {strides = array<i32>} : memref<1600x32xf32, #tpu.memory_space<vmem>>, vector<1x16xf32>,
        %get3A_368 = vector.shape_cast %get3A_367 : vector<1x16xf32> to vector<16xf32>
        %add3A_369 = arith.addf %add3A_355, %get3A_368 : vector<16xf32>
        %add3A_370 = arith.constant 22 : i32
        %add3A_371 = arith.addi %mul3A_68, %add3A_370 : i32
        %get3A_372 = arith.index_cast %add3A_371 : i32 to index
        %get3A_373 = arith.constant 0 : index
        %get3A_374 = tpu.vector_load %arg11[%get3A_372, %get3A_373] {strides = array<i32>} : memref<1600x32xf32, #tpu.memory_space<vmem>>, vector<1x16xf32>,
        %get3A_375 = vector.shape_cast %get3A_374 : vector<1x16xf32> to vector<16xf32>
        %add3A_376 = arith.addf %add3A_362, %get3A_375 : vector<16xf32>
        %add3A_377 = arith.constant 22 : i32
        %add3A_378 = arith.addi %mul3A_68, %add3A_377 : i32
        %get3A_379 = arith.index_cast %add3A_378 : i32 to index
        %get3A_380 = arith.constant 16 : index
        %get3A_381 = tpu.vector_load %arg11[%get3A_379, %get3A_380] {strides = array<i32>} : memref<1600x32xf32, #tpu.memory_space<vmem>>, vector<1x16xf32>,
        %get3A_382 = vector.shape_cast %get3A_381 : vector<1x16xf32> to vector<16xf32>
        %add3A_383 = arith.addf %add3A_369, %get3A_382 : vector<16xf32>
        %add3A_384 = arith.constant 23 : i32
        %add3A_385 = arith.addi %mul3A_68, %add3A_384 : i32
        %get3A_386 = arith.index_cast %add3A_385 : i32 to index
        %get3A_387 = arith.constant 0 : index
        %get3A_388 = tpu.vector_load %arg11[%get3A_386, %get3A_387] {strides = array<i32>} : memref<1600x32xf32, #tpu.memory_space<vmem>>, vector<1x16xf32>,
        %get3A_389 = vector.shape_cast %get3A_388 : vector<1x16xf32> to vector<16xf32>
        %add3A_390 = arith.addf %add3A_376, %get3A_389 : vector<16xf32>
        %add3A_391 = arith.constant 23 : i32
        %add3A_392 = arith.addi %mul3A_68, %add3A_391 : i32
        %get3A_393 = arith.index_cast %add3A_392 : i32 to index
        %get3A_394 = arith.constant 16 : index
        %get3A_395 = tpu.vector_load %arg11[%get3A_393, %get3A_394] {strides = array<i32>} : memref<1600x32xf32, #tpu.memory_space<vmem>>, vector<1x16xf32>,
        %get3A_396 = vector.shape_cast %get3A_395 : vector<1x16xf32> to vector<16xf32>
        %add3A_397 = arith.addf %add3A_383, %get3A_396 : vector<16xf32>
        %add3A_398 = arith.constant 24 : i32
        %add3A_399 = arith.addi %mul3A_68, %add3A_398 : i32
        %get3A_400 = arith.index_cast %add3A_399 : i32 to index
        %get3A_401 = arith.constant 0 : index
        %get3A_402 = tpu.vector_load %arg11[%get3A_400, %get3A_401] {strides = array<i32>} : memref<1600x32xf32, #tpu.memory_space<vmem>>, vector<1x16xf32>,
        %get3A_403 = vector.shape_cast %get3A_402 : vector<1x16xf32> to vector<16xf32>
        %add3A_404 = arith.addf %add3A_390, %get3A_403 : vector<16xf32>
        %add3A_405 = arith.constant 24 : i32
        %add3A_406 = arith.addi %mul3A_68, %add3A_405 : i32
        %get3A_407 = arith.index_cast %add3A_406 : i32 to index
        %get3A_408 = arith.constant 16 : index
        %get3A_409 = tpu.vector_load %arg11[%get3A_407, %get3A_408] {strides = array<i32>} : memref<1600x32xf32, #tpu.memory_space<vmem>>, vector<1x16xf32>,
        %get3A_410 = vector.shape_cast %get3A_409 : vector<1x16xf32> to vector<16xf32>
        %add3A_411 = arith.addf %add3A_397, %get3A_410 : vector<16xf32>
        %add3A_412 = arith.constant 25 : i32
        %add3A_413 = arith.addi %mul3A_68, %add3A_412 : i32
        %get3A_414 = arith.index_cast %add3A_413 : i32 to index
        %get3A_415 = arith.constant 0 : index
        %get3A_416 = tpu.vector_load %arg11[%get3A_414, %get3A_415] {strides = array<i32>} : memref<1600x32xf32, #tpu.memory_space<vmem>>, vector<1x16xf32>,
        %get3A_417 = vector.shape_cast %get3A_416 : vector<1x16xf32> to vector<16xf32>
        %add3A_418 = arith.addf %add3A_404, %get3A_417 : vector<16xf32>
        %add3A_419 = arith.constant 25 : i32
        %add3A_420 = arith.addi %mul3A_68, %add3A_419 : i32
        %get3A_421 = arith.index_cast %add3A_420 : i32 to index
        %get3A_422 = arith.constant 16 : index
        %get3A_423 = tpu.vector_load %arg11[%get3A_421, %get3A_422] {strides = array<i32>} : memref<1600x32xf32, #tpu.memory_space<vmem>>, vector<1x16xf32>,
        %get3A_424 = vector.shape_cast %get3A_423 : vector<1x16xf32> to vector<16xf32>
        %add3A_425 = arith.addf %add3A_411, %get3A_424 : vector<16xf32>
        %add3A_426 = arith.constant 26 : i32
        %add3A_427 = arith.addi %mul3A_68, %add3A_426 : i32
        %get3A_428 = arith.index_cast %add3A_427 : i32 to index
        %get3A_429 = arith.constant 0 : index
        %get3A_430 = tpu.vector_load %arg11[%get3A_428, %get3A_429] {strides = array<i32>} : memref<1600x32xf32, #tpu.memory_space<vmem>>, vector<1x16xf32>,
        %get3A_431 = vector.shape_cast %get3A_430 : vector<1x16xf32> to vector<16xf32>
        %add3A_432 = arith.addf %add3A_418, %get3A_431 : vector<16xf32>
        %add3A_433 = arith.constant 26 : i32
        %add3A_434 = arith.addi %mul3A_68, %add3A_433 : i32
        %get3A_435 = arith.index_cast %add3A_434 : i32 to index
        %get3A_436 = arith.constant 16 : index
        %get3A_437 = tpu.vector_load %arg11[%get3A_435, %get3A_436] {strides = array<i32>} : memref<1600x32xf32, #tpu.memory_space<vmem>>, vector<1x16xf32>,
        %get3A_438 = vector.shape_cast %get3A_437 : vector<1x16xf32> to vector<16xf32>
        %add3A_439 = arith.addf %add3A_425, %get3A_438 : vector<16xf32>
        %add3A_440 = arith.constant 27 : i32
        %add3A_441 = arith.addi %mul3A_68, %add3A_440 : i32
        %get3A_442 = arith.index_cast %add3A_441 : i32 to index
        %get3A_443 = arith.constant 0 : index
        %get3A_444 = tpu.vector_load %arg11[%get3A_442, %get3A_443] {strides = array<i32>} : memref<1600x32xf32, #tpu.memory_space<vmem>>, vector<1x16xf32>,
        %get3A_445 = vector.shape_cast %get3A_444 : vector<1x16xf32> to vector<16xf32>
        %add3A_446 = arith.addf %add3A_432, %get3A_445 : vector<16xf32>
        %add3A_447 = arith.constant 27 : i32
        %add3A_448 = arith.addi %mul3A_68, %add3A_447 : i32
        %get3A_449 = arith.index_cast %add3A_448 : i32 to index
        %get3A_450 = arith.constant 16 : index
        %get3A_451 = tpu.vector_load %arg11[%get3A_449, %get3A_450] {strides = array<i32>} : memref<1600x32xf32, #tpu.memory_space<vmem>>, vector<1x16xf32>,
        %get3A_452 = vector.shape_cast %get3A_451 : vector<1x16xf32> to vector<16xf32>
        %add3A_453 = arith.addf %add3A_439, %get3A_452 : vector<16xf32>
        %add3A_454 = arith.constant 28 : i32
        %add3A_455 = arith.addi %mul3A_68, %add3A_454 : i32
        %get3A_456 = arith.index_cast %add3A_455 : i32 to index
        %get3A_457 = arith.constant 0 : index
        %get3A_458 = tpu.vector_load %arg11[%get3A_456, %get3A_457] {strides = array<i32>} : memref<1600x32xf32, #tpu.memory_space<vmem>>, vector<1x16xf32>,
        %get3A_459 = vector.shape_cast %get3A_458 : vector<1x16xf32> to vector<16xf32>
        %add3A_460 = arith.addf %add3A_446, %get3A_459 : vector<16xf32>
        %add3A_461 = arith.constant 28 : i32
        %add3A_462 = arith.addi %mul3A_68, %add3A_461 : i32
        %get3A_463 = arith.index_cast %add3A_462 : i32 to index
        %get3A_464 = arith.constant 16 : index
        %get3A_465 = tpu.vector_load %arg11[%get3A_463, %get3A_464] {strides = array<i32>} : memref<1600x32xf32, #tpu.memory_space<vmem>>, vector<1x16xf32>,
        %get3A_466 = vector.shape_cast %get3A_465 : vector<1x16xf32> to vector<16xf32>
        %add3A_467 = arith.addf %add3A_453, %get3A_466 : vector<16xf32>
        %add3A_468 = arith.constant 29 : i32
        %add3A_469 = arith.addi %mul3A_68, %add3A_468 : i32
        %get3A_470 = arith.index_cast %add3A_469 : i32 to index
        %get3A_471 = arith.constant 0 : index
        %get3A_472 = tpu.vector_load %arg11[%get3A_470, %get3A_471] {strides = array<i32>} : memref<1600x32xf32, #tpu.memory_space<vmem>>, vector<1x16xf32>,
        %get3A_473 = vector.shape_cast %get3A_472 : vector<1x16xf32> to vector<16xf32>
        %add3A_474 = arith.addf %add3A_460, %get3A_473 : vector<16xf32>
        %add3A_475 = arith.constant 29 : i32
        %add3A_476 = arith.addi %mul3A_68, %add3A_475 : i32
        %get3A_477 = arith.index_cast %add3A_476 : i32 to index
        %get3A_478 = arith.constant 16 : index
        %get3A_479 = tpu.vector_load %arg11[%get3A_477, %get3A_478] {strides = array<i32>} : memref<1600x32xf32, #tpu.memory_space<vmem>>, vector<1x16xf32>,
        %get3A_480 = vector.shape_cast %get3A_479 : vector<1x16xf32> to vector<16xf32>
        %add3A_481 = arith.addf %add3A_467, %get3A_480 : vector<16xf32>
        %add3A_482 = arith.constant 30 : i32
        %add3A_483 = arith.addi %mul3A_68, %add3A_482 : i32
        %get3A_484 = arith.index_cast %add3A_483 : i32 to index
        %get3A_485 = arith.constant 0 : index
        %get3A_486 = tpu.vector_load %arg11[%get3A_484, %get3A_485] {strides = array<i32>} : memref<1600x32xf32, #tpu.memory_space<vmem>>, vector<1x16xf32>,
        %get3A_487 = vector.shape_cast %get3A_486 : vector<1x16xf32> to vector<16xf32>
        %add3A_488 = arith.addf %add3A_474, %get3A_487 : vector<16xf32>
        %add3A_489 = arith.constant 30 : i32
        %add3A_490 = arith.addi %mul3A_68, %add3A_489 : i32
        %get3A_491 = arith.index_cast %add3A_490 : i32 to index
        %get3A_492 = arith.constant 16 : index
        %get3A_493 = tpu.vector_load %arg11[%get3A_491, %get3A_492] {strides = array<i32>} : memref<1600x32xf32, #tpu.memory_space<vmem>>, vector<1x16xf32>,
        %get3A_494 = vector.shape_cast %get3A_493 : vector<1x16xf32> to vector<16xf32>
        %add3A_495 = arith.addf %add3A_481, %get3A_494 : vector<16xf32>
        %add3A_496 = arith.constant 31 : i32
        %add3A_497 = arith.addi %mul3A_68, %add3A_496 : i32
        %get3A_498 = arith.index_cast %add3A_497 : i32 to index
        %get3A_499 = arith.constant 0 : index
        %get3A_500 = tpu.vector_load %arg11[%get3A_498, %get3A_499] {strides = array<i32>} : memref<1600x32xf32, #tpu.memory_space<vmem>>, vector<1x16xf32>,
        %get3A_501 = vector.shape_cast %get3A_500 : vector<1x16xf32> to vector<16xf32>
        %add3A_502 = arith.addf %add3A_488, %get3A_501 : vector<16xf32>
        %add3A_503 = arith.constant 31 : i32
        %add3A_504 = arith.addi %mul3A_68, %add3A_503 : i32
        %get3A_505 = arith.index_cast %add3A_504 : i32 to index
        %get3A_506 = arith.constant 16 : index
        %get3A_507 = tpu.vector_load %arg11[%get3A_505, %get3A_506] {strides = array<i32>} : memref<1600x32xf32, #tpu.memory_space<vmem>>, vector<1x16xf32>,
        %get3A_508 = vector.shape_cast %get3A_507 : vector<1x16xf32> to vector<16xf32>
        %add3A_509 = arith.addf %add3A_495, %get3A_508 : vector<16xf32>
        %add3A_510 = arith.constant 32 : i32
        %add3A_511 = arith.addi %mul3A_68, %add3A_510 : i32
        %get3A_512 = arith.index_cast %add3A_511 : i32 to index
        %get3A_513 = arith.constant 0 : index
        %get3A_514 = tpu.vector_load %arg11[%get3A_512, %get3A_513] {strides = array<i32>} : memref<1600x32xf32, #tpu.memory_space<vmem>>, vector<1x16xf32>,
        %get3A_515 = vector.shape_cast %get3A_514 : vector<1x16xf32> to vector<16xf32>
        %add3A_516 = arith.addf %add3A_502, %get3A_515 : vector<16xf32>
        %add3A_517 = arith.constant 32 : i32
        %add3A_518 = arith.addi %mul3A_68, %add3A_517 : i32
        %get3A_519 = arith.index_cast %add3A_518 : i32 to index
        %get3A_520 = arith.constant 16 : index
        %get3A_521 = tpu.vector_load %arg11[%get3A_519, %get3A_520] {strides = array<i32>} : memref<1600x32xf32, #tpu.memory_space<vmem>>, vector<1x16xf32>,
        %get3A_522 = vector.shape_cast %get3A_521 : vector<1x16xf32> to vector<16xf32>
        %add3A_523 = arith.addf %add3A_509, %get3A_522 : vector<16xf32>
        %add3A_524 = arith.constant 33 : i32
        %add3A_525 = arith.addi %mul3A_68, %add3A_524 : i32
        %get3A_526 = arith.index_cast %add3A_525 : i32 to index
        %get3A_527 = arith.constant 0 : index
        %get3A_528 = tpu.vector_load %arg11[%get3A_526, %get3A_527] {strides = array<i32>} : memref<1600x32xf32, #tpu.memory_space<vmem>>, vector<1x16xf32>,
        %get3A_529 = vector.shape_cast %get3A_528 : vector<1x16xf32> to vector<16xf32>
        %add3A_530 = arith.addf %add3A_516, %get3A_529 : vector<16xf32>
        %add3A_531 = arith.constant 33 : i32
        %add3A_532 = arith.addi %mul3A_68, %add3A_531 : i32
        %get3A_533 = arith.index_cast %add3A_532 : i32 to index
        %get3A_534 = arith.constant 16 : index
        %get3A_535 = tpu.vector_load %arg11[%get3A_533, %get3A_534] {strides = array<i32>} : memref<1600x32xf32, #tpu.memory_space<vmem>>, vector<1x16xf32>,
        %get3A_536 = vector.shape_cast %get3A_535 : vector<1x16xf32> to vector<16xf32>
        %add3A_537 = arith.addf %add3A_523, %get3A_536 : vector<16xf32>
        %add3A_538 = arith.constant 34 : i32
        %add3A_539 = arith.addi %mul3A_68, %add3A_538 : i32
        %get3A_540 = arith.index_cast %add3A_539 : i32 to index
        %get3A_541 = arith.constant 0 : index
        %get3A_542 = tpu.vector_load %arg11[%get3A_540, %get3A_541] {strides = array<i32>} : memref<1600x32xf32, #tpu.memory_space<vmem>>, vector<1x16xf32>,
        %get3A_543 = vector.shape_cast %get3A_542 : vector<1x16xf32> to vector<16xf32>
        %add3A_544 = arith.addf %add3A_530, %get3A_543 : vector<16xf32>
        %add3A_545 = arith.constant 34 : i32
        %add3A_546 = arith.addi %mul3A_68, %add3A_545 : i32
        %get3A_547 = arith.index_cast %add3A_546 : i32 to index
        %get3A_548 = arith.constant 16 : index
        %get3A_549 = tpu.vector_load %arg11[%get3A_547, %get3A_548] {strides = array<i32>} : memref<1600x32xf32, #tpu.memory_space<vmem>>, vector<1x16xf32>,
        %get3A_550 = vector.shape_cast %get3A_549 : vector<1x16xf32> to vector<16xf32>
        %add3A_551 = arith.addf %add3A_537, %get3A_550 : vector<16xf32>
        %add3A_552 = arith.constant 35 : i32
        %add3A_553 = arith.addi %mul3A_68, %add3A_552 : i32
        %get3A_554 = arith.index_cast %add3A_553 : i32 to index
        %get3A_555 = arith.constant 0 : index
        %get3A_556 = tpu.vector_load %arg11[%get3A_554, %get3A_555] {strides = array<i32>} : memref<1600x32xf32, #tpu.memory_space<vmem>>, vector<1x16xf32>,
        %get3A_557 = vector.shape_cast %get3A_556 : vector<1x16xf32> to vector<16xf32>
        %add3A_558 = arith.addf %add3A_544, %get3A_557 : vector<16xf32>
        %add3A_559 = arith.constant 35 : i32
        %add3A_560 = arith.addi %mul3A_68, %add3A_559 : i32
        %get3A_561 = arith.index_cast %add3A_560 : i32 to index
        %get3A_562 = arith.constant 16 : index
        %get3A_563 = tpu.vector_load %arg11[%get3A_561, %get3A_562] {strides = array<i32>} : memref<1600x32xf32, #tpu.memory_space<vmem>>, vector<1x16xf32>,
        %get3A_564 = vector.shape_cast %get3A_563 : vector<1x16xf32> to vector<16xf32>
        %add3A_565 = arith.addf %add3A_551, %get3A_564 : vector<16xf32>
        %add3A_566 = arith.constant 36 : i32
        %add3A_567 = arith.addi %mul3A_68, %add3A_566 : i32
        %get3A_568 = arith.index_cast %add3A_567 : i32 to index
        %get3A_569 = arith.constant 0 : index
        %get3A_570 = tpu.vector_load %arg11[%get3A_568, %get3A_569] {strides = array<i32>} : memref<1600x32xf32, #tpu.memory_space<vmem>>, vector<1x16xf32>,
        %get3A_571 = vector.shape_cast %get3A_570 : vector<1x16xf32> to vector<16xf32>
        %add3A_572 = arith.addf %add3A_558, %get3A_571 : vector<16xf32>
        %add3A_573 = arith.constant 36 : i32
        %add3A_574 = arith.addi %mul3A_68, %add3A_573 : i32
        %get3A_575 = arith.index_cast %add3A_574 : i32 to index
        %get3A_576 = arith.constant 16 : index
        %get3A_577 = tpu.vector_load %arg11[%get3A_575, %get3A_576] {strides = array<i32>} : memref<1600x32xf32, #tpu.memory_space<vmem>>, vector<1x16xf32>,
        %get3A_578 = vector.shape_cast %get3A_577 : vector<1x16xf32> to vector<16xf32>
        %add3A_579 = arith.addf %add3A_565, %get3A_578 : vector<16xf32>
        %add3A_580 = arith.constant 37 : i32
        %add3A_581 = arith.addi %mul3A_68, %add3A_580 : i32
        %get3A_582 = arith.index_cast %add3A_581 : i32 to index
        %get3A_583 = arith.constant 0 : index
        %get3A_584 = tpu.vector_load %arg11[%get3A_582, %get3A_583] {strides = array<i32>} : memref<1600x32xf32, #tpu.memory_space<vmem>>, vector<1x16xf32>,
        %get3A_585 = vector.shape_cast %get3A_584 : vector<1x16xf32> to vector<16xf32>
        %add3A_586 = arith.addf %add3A_572, %get3A_585 : vector<16xf32>
        %add3A_587 = arith.constant 37 : i32
        %add3A_588 = arith.addi %mul3A_68, %add3A_587 : i32
        %get3A_589 = arith.index_cast %add3A_588 : i32 to index
        %get3A_590 = arith.constant 16 : index
        %get3A_591 = tpu.vector_load %arg11[%get3A_589, %get3A_590] {strides = array<i32>} : memref<1600x32xf32, #tpu.memory_space<vmem>>, vector<1x16xf32>,
        %get3A_592 = vector.shape_cast %get3A_591 : vector<1x16xf32> to vector<16xf32>
        %add3A_593 = arith.addf %add3A_579, %get3A_592 : vector<16xf32>
        %add3A_594 = arith.constant 38 : i32
        %add3A_595 = arith.addi %mul3A_68, %add3A_594 : i32
        %get3A_596 = arith.index_cast %add3A_595 : i32 to index
        %get3A_597 = arith.constant 0 : index
        %get3A_598 = tpu.vector_load %arg11[%get3A_596, %get3A_597] {strides = array<i32>} : memref<1600x32xf32, #tpu.memory_space<vmem>>, vector<1x16xf32>,
        %get3A_599 = vector.shape_cast %get3A_598 : vector<1x16xf32> to vector<16xf32>
        %add3A_600 = arith.addf %add3A_586, %get3A_599 : vector<16xf32>
        %add3A_601 = arith.constant 38 : i32
        %add3A_602 = arith.addi %mul3A_68, %add3A_601 : i32
        %get3A_603 = arith.index_cast %add3A_602 : i32 to index
        %get3A_604 = arith.constant 16 : index
        %get3A_605 = tpu.vector_load %arg11[%get3A_603, %get3A_604] {strides = array<i32>} : memref<1600x32xf32, #tpu.memory_space<vmem>>, vector<1x16xf32>,
        %get3A_606 = vector.shape_cast %get3A_605 : vector<1x16xf32> to vector<16xf32>
        %add3A_607 = arith.addf %add3A_593, %get3A_606 : vector<16xf32>
        %add3A_608 = arith.constant 39 : i32
        %add3A_609 = arith.addi %mul3A_68, %add3A_608 : i32
        %get3A_610 = arith.index_cast %add3A_609 : i32 to index
        %get3A_611 = arith.constant 0 : index
        %get3A_612 = tpu.vector_load %arg11[%get3A_610, %get3A_611] {strides = array<i32>} : memref<1600x32xf32, #tpu.memory_space<vmem>>, vector<1x16xf32>,
        %get3A_613 = vector.shape_cast %get3A_612 : vector<1x16xf32> to vector<16xf32>
        %add3A_614 = arith.addf %add3A_600, %get3A_613 : vector<16xf32>
        %add3A_615 = arith.constant 39 : i32
        %add3A_616 = arith.addi %mul3A_68, %add3A_615 : i32
        %get3A_617 = arith.index_cast %add3A_616 : i32 to index
        %get3A_618 = arith.constant 16 : index
        %get3A_619 = tpu.vector_load %arg11[%get3A_617, %get3A_618] {strides = array<i32>} : memref<1600x32xf32, #tpu.memory_space<vmem>>, vector<1x16xf32>,
        %get3A_620 = vector.shape_cast %get3A_619 : vector<1x16xf32> to vector<16xf32>
        %add3A_621 = arith.addf %add3A_607, %get3A_620 : vector<16xf32>
        %add3A_622 = arith.constant 40 : i32
        %add3A_623 = arith.addi %mul3A_68, %add3A_622 : i32
        %get3A_624 = arith.index_cast %add3A_623 : i32 to index
        %get3A_625 = arith.constant 0 : index
        %get3A_626 = tpu.vector_load %arg11[%get3A_624, %get3A_625] {strides = array<i32>} : memref<1600x32xf32, #tpu.memory_space<vmem>>, vector<1x16xf32>,
        %get3A_627 = vector.shape_cast %get3A_626 : vector<1x16xf32> to vector<16xf32>
        %add3A_628 = arith.addf %add3A_614, %get3A_627 : vector<16xf32>
        %add3A_629 = arith.constant 40 : i32
        %add3A_630 = arith.addi %mul3A_68, %add3A_629 : i32
        %get3A_631 = arith.index_cast %add3A_630 : i32 to index
        %get3A_632 = arith.constant 16 : index
        %get3A_633 = tpu.vector_load %arg11[%get3A_631, %get3A_632] {strides = array<i32>} : memref<1600x32xf32, #tpu.memory_space<vmem>>, vector<1x16xf32>,
        %get3A_634 = vector.shape_cast %get3A_633 : vector<1x16xf32> to vector<16xf32>
        %add3A_635 = arith.addf %add3A_621, %get3A_634 : vector<16xf32>
        %add3A_636 = arith.constant 41 : i32
        %add3A_637 = arith.addi %mul3A_68, %add3A_636 : i32
        %get3A_638 = arith.index_cast %add3A_637 : i32 to index
        %get3A_639 = arith.constant 0 : index
        %get3A_640 = tpu.vector_load %arg11[%get3A_638, %get3A_639] {strides = array<i32>} : memref<1600x32xf32, #tpu.memory_space<vmem>>, vector<1x16xf32>,
        %get3A_641 = vector.shape_cast %get3A_640 : vector<1x16xf32> to vector<16xf32>
        %add3A_642 = arith.addf %add3A_628, %get3A_641 : vector<16xf32>
        %add3A_643 = arith.constant 41 : i32
        %add3A_644 = arith.addi %mul3A_68, %add3A_643 : i32
        %get3A_645 = arith.index_cast %add3A_644 : i32 to index
        %get3A_646 = arith.constant 16 : index
        %get3A_647 = tpu.vector_load %arg11[%get3A_645, %get3A_646] {strides = array<i32>} : memref<1600x32xf32, #tpu.memory_space<vmem>>, vector<1x16xf32>,
        %get3A_648 = vector.shape_cast %get3A_647 : vector<1x16xf32> to vector<16xf32>
        %add3A_649 = arith.addf %add3A_635, %get3A_648 : vector<16xf32>
        %add3A_650 = arith.constant 42 : i32
        %add3A_651 = arith.addi %mul3A_68, %add3A_650 : i32
        %get3A_652 = arith.index_cast %add3A_651 : i32 to index
        %get3A_653 = arith.constant 0 : index
        %get3A_654 = tpu.vector_load %arg11[%get3A_652, %get3A_653] {strides = array<i32>} : memref<1600x32xf32, #tpu.memory_space<vmem>>, vector<1x16xf32>,
        %get3A_655 = vector.shape_cast %get3A_654 : vector<1x16xf32> to vector<16xf32>
        %add3A_656 = arith.addf %add3A_642, %get3A_655 : vector<16xf32>
        %add3A_657 = arith.constant 42 : i32
        %add3A_658 = arith.addi %mul3A_68, %add3A_657 : i32
        %get3A_659 = arith.index_cast %add3A_658 : i32 to index
        %get3A_660 = arith.constant 16 : index
        %get3A_661 = tpu.vector_load %arg11[%get3A_659, %get3A_660] {strides = array<i32>} : memref<1600x32xf32, #tpu.memory_space<vmem>>, vector<1x16xf32>,
        %get3A_662 = vector.shape_cast %get3A_661 : vector<1x16xf32> to vector<16xf32>
        %add3A_663 = arith.addf %add3A_649, %get3A_662 : vector<16xf32>
        %add3A_664 = arith.constant 43 : i32
        %add3A_665 = arith.addi %mul3A_68, %add3A_664 : i32
        %get3A_666 = arith.index_cast %add3A_665 : i32 to index
        %get3A_667 = arith.constant 0 : index
        %get3A_668 = tpu.vector_load %arg11[%get3A_666, %get3A_667] {strides = array<i32>} : memref<1600x32xf32, #tpu.memory_space<vmem>>, vector<1x16xf32>,
        %get3A_669 = vector.shape_cast %get3A_668 : vector<1x16xf32> to vector<16xf32>
        %add3A_670 = arith.addf %add3A_656, %get3A_669 : vector<16xf32>
        %add3A_671 = arith.constant 43 : i32
        %add3A_672 = arith.addi %mul3A_68, %add3A_671 : i32
        %get3A_673 = arith.index_cast %add3A_672 : i32 to index
        %get3A_674 = arith.constant 16 : index
        %get3A_675 = tpu.vector_load %arg11[%get3A_673, %get3A_674] {strides = array<i32>} : memref<1600x32xf32, #tpu.memory_space<vmem>>, vector<1x16xf32>,
        %get3A_676 = vector.shape_cast %get3A_675 : vector<1x16xf32> to vector<16xf32>
        %add3A_677 = arith.addf %add3A_663, %get3A_676 : vector<16xf32>
        %add3A_678 = arith.constant 44 : i32
        %add3A_679 = arith.addi %mul3A_68, %add3A_678 : i32
        %get3A_680 = arith.index_cast %add3A_679 : i32 to index
        %get3A_681 = arith.constant 0 : index
        %get3A_682 = tpu.vector_load %arg11[%get3A_680, %get3A_681] {strides = array<i32>} : memref<1600x32xf32, #tpu.memory_space<vmem>>, vector<1x16xf32>,
        %get3A_683 = vector.shape_cast %get3A_682 : vector<1x16xf32> to vector<16xf32>
        %add3A_684 = arith.addf %add3A_670, %get3A_683 : vector<16xf32>
        %add3A_685 = arith.constant 44 : i32
        %add3A_686 = arith.addi %mul3A_68, %add3A_685 : i32
        %get3A_687 = arith.index_cast %add3A_686 : i32 to index
        %get3A_688 = arith.constant 16 : index
        %get3A_689 = tpu.vector_load %arg11[%get3A_687, %get3A_688] {strides = array<i32>} : memref<1600x32xf32, #tpu.memory_space<vmem>>, vector<1x16xf32>,
        %get3A_690 = vector.shape_cast %get3A_689 : vector<1x16xf32> to vector<16xf32>
        %add3A_691 = arith.addf %add3A_677, %get3A_690 : vector<16xf32>
        %add3A_692 = arith.constant 45 : i32
        %add3A_693 = arith.addi %mul3A_68, %add3A_692 : i32
        %get3A_694 = arith.index_cast %add3A_693 : i32 to index
        %get3A_695 = arith.constant 0 : index
        %get3A_696 = tpu.vector_load %arg11[%get3A_694, %get3A_695] {strides = array<i32>} : memref<1600x32xf32, #tpu.memory_space<vmem>>, vector<1x16xf32>,
        %get3A_697 = vector.shape_cast %get3A_696 : vector<1x16xf32> to vector<16xf32>
        %add3A_698 = arith.addf %add3A_684, %get3A_697 : vector<16xf32>
        %add3A_699 = arith.constant 45 : i32
        %add3A_700 = arith.addi %mul3A_68, %add3A_699 : i32
        %get3A_701 = arith.index_cast %add3A_700 : i32 to index
        %get3A_702 = arith.constant 16 : index
        %get3A_703 = tpu.vector_load %arg11[%get3A_701, %get3A_702] {strides = array<i32>} : memref<1600x32xf32, #tpu.memory_space<vmem>>, vector<1x16xf32>,
        %get3A_704 = vector.shape_cast %get3A_703 : vector<1x16xf32> to vector<16xf32>
        %add3A_705 = arith.addf %add3A_691, %get3A_704 : vector<16xf32>
        %add3A_706 = arith.constant 46 : i32
        %add3A_707 = arith.addi %mul3A_68, %add3A_706 : i32
        %get3A_708 = arith.index_cast %add3A_707 : i32 to index
        %get3A_709 = arith.constant 0 : index
        %get3A_710 = tpu.vector_load %arg11[%get3A_708, %get3A_709] {strides = array<i32>} : memref<1600x32xf32, #tpu.memory_space<vmem>>, vector<1x16xf32>,
        %get3A_711 = vector.shape_cast %get3A_710 : vector<1x16xf32> to vector<16xf32>
        %add3A_712 = arith.addf %add3A_698, %get3A_711 : vector<16xf32>
        %add3A_713 = arith.constant 46 : i32
        %add3A_714 = arith.addi %mul3A_68, %add3A_713 : i32
        %get3A_715 = arith.index_cast %add3A_714 : i32 to index
        %get3A_716 = arith.constant 16 : index
        %get3A_717 = tpu.vector_load %arg11[%get3A_715, %get3A_716] {strides = array<i32>} : memref<1600x32xf32, #tpu.memory_space<vmem>>, vector<1x16xf32>,
        %get3A_718 = vector.shape_cast %get3A_717 : vector<1x16xf32> to vector<16xf32>
        %add3A_719 = arith.addf %add3A_705, %get3A_718 : vector<16xf32>
        %add3A_720 = arith.constant 47 : i32
        %add3A_721 = arith.addi %mul3A_68, %add3A_720 : i32
        %get3A_722 = arith.index_cast %add3A_721 : i32 to index
        %get3A_723 = arith.constant 0 : index
        %get3A_724 = tpu.vector_load %arg11[%get3A_722, %get3A_723] {strides = array<i32>} : memref<1600x32xf32, #tpu.memory_space<vmem>>, vector<1x16xf32>,
        %get3A_725 = vector.shape_cast %get3A_724 : vector<1x16xf32> to vector<16xf32>
        %add3A_726 = arith.addf %add3A_712, %get3A_725 : vector<16xf32>
        %add3A_727 = arith.constant 47 : i32
        %add3A_728 = arith.addi %mul3A_68, %add3A_727 : i32
        %get3A_729 = arith.index_cast %add3A_728 : i32 to index
        %get3A_730 = arith.constant 16 : index
        %get3A_731 = tpu.vector_load %arg11[%get3A_729, %get3A_730] {strides = array<i32>} : memref<1600x32xf32, #tpu.memory_space<vmem>>, vector<1x16xf32>,
        %get3A_732 = vector.shape_cast %get3A_731 : vector<1x16xf32> to vector<16xf32>
        %add3A_733 = arith.addf %add3A_719, %get3A_732 : vector<16xf32>
        %add3A_734 = arith.constant 48 : i32
        %add3A_735 = arith.addi %mul3A_68, %add3A_734 : i32
        %get3A_736 = arith.index_cast %add3A_735 : i32 to index
        %get3A_737 = arith.constant 0 : index
        %get3A_738 = tpu.vector_load %arg11[%get3A_736, %get3A_737] {strides = array<i32>} : memref<1600x32xf32, #tpu.memory_space<vmem>>, vector<1x16xf32>,
        %get3A_739 = vector.shape_cast %get3A_738 : vector<1x16xf32> to vector<16xf32>
        %add3A_740 = arith.addf %add3A_726, %get3A_739 : vector<16xf32>
        %add3A_741 = arith.constant 48 : i32
        %add3A_742 = arith.addi %mul3A_68, %add3A_741 : i32
        %get3A_743 = arith.index_cast %add3A_742 : i32 to index
        %get3A_744 = arith.constant 16 : index
        %get3A_745 = tpu.vector_load %arg11[%get3A_743, %get3A_744] {strides = array<i32>} : memref<1600x32xf32, #tpu.memory_space<vmem>>, vector<1x16xf32>,
        %get3A_746 = vector.shape_cast %get3A_745 : vector<1x16xf32> to vector<16xf32>
        %add3A_747 = arith.addf %add3A_733, %get3A_746 : vector<16xf32>
        %add3A_748 = arith.constant 49 : i32
        %add3A_749 = arith.addi %mul3A_68, %add3A_748 : i32
        %get3A_750 = arith.index_cast %add3A_749 : i32 to index
        %get3A_751 = arith.constant 0 : index
        %get3A_752 = tpu.vector_load %arg11[%get3A_750, %get3A_751] {strides = array<i32>} : memref<1600x32xf32, #tpu.memory_space<vmem>>, vector<1x16xf32>,
        %get3A_753 = vector.shape_cast %get3A_752 : vector<1x16xf32> to vector<16xf32>
        %add3A_754 = arith.addf %add3A_740, %get3A_753 : vector<16xf32>
        %add3A_755 = arith.constant 49 : i32
        %add3A_756 = arith.addi %mul3A_68, %add3A_755 : i32
        %get3A_757 = arith.index_cast %add3A_756 : i32 to index
        %get3A_758 = arith.constant 16 : index
        %get3A_759 = tpu.vector_load %arg11[%get3A_757, %get3A_758] {strides = array<i32>} : memref<1600x32xf32, #tpu.memory_space<vmem>>, vector<1x16xf32>,
        %get3A_760 = vector.shape_cast %get3A_759 : vector<1x16xf32> to vector<16xf32>
        %add3A_761 = arith.addf %add3A_747, %get3A_760 : vector<16xf32>
        %mul3A_762 = arith.constant 32 : i32
        %mul3A_763 = arith.muli %mul3A_23, %mul3A_762 : i32
        %add3A_764 = arith.addi %mul3A_763, %scan3A_65 : i32
        %get3A_765 = arith.index_cast %add3A_764 : i32 to index
        %get3A_766 = arith.constant 0 : index
        %get3A_767 = tpu.vector_load %arg8[%get3A_765, %get3A_766] {strides = array<i32>} : memref<512x32xf32, #tpu.memory_space<vmem>>, vector<1x16xf32>,
        %get3A_768 = vector.shape_cast %get3A_767 : vector<1x16xf32> to vector<16xf32>
        %swap3A = arith.index_cast %scan3A_65 : i32 to index
        %swap3A_769 = arith.constant 0 : index
        %swap3A_770 = tpu.vector_load %arg13[%swap3A, %swap3A_769] {strides = array<i32>} : memref<32x64xf32, #tpu.memory_space<vmem>>, vector<1x16xf32>,
        %swap3A_771 = vector.shape_cast %swap3A_770 : vector<1x16xf32> to vector<16xf32>
        %swap3A_772 = vector.shape_cast %get3A_768 : vector<16xf32> to vector<1x16xf32>
        tpu.vector_store %arg13[%swap3A, %swap3A_769], %swap3A_772 {strides = array<i32>} : memref<32x64xf32, #tpu.memory_space<vmem>>, vector<1x16xf32>,
        %get3A_773 = arith.index_cast %add3A_764 : i32 to index
        %get3A_774 = arith.constant 16 : index
        %get3A_775 = tpu.vector_load %arg8[%get3A_773, %get3A_774] {strides = array<i32>} : memref<512x32xf32, #tpu.memory_space<vmem>>, vector<1x16xf32>,
        %get3A_776 = vector.shape_cast %get3A_775 : vector<1x16xf32> to vector<16xf32>
        %swap3A_777 = arith.index_cast %scan3A_65 : i32 to index
        %swap3A_778 = arith.constant 16 : index
        %swap3A_779 = tpu.vector_load %arg13[%swap3A_777, %swap3A_778] {strides = array<i32>} : memref<32x64xf32, #tpu.memory_space<vmem>>, vector<1x16xf32>,
        %swap3A_780 = vector.shape_cast %swap3A_779 : vector<1x16xf32> to vector<16xf32>
        %swap3A_781 = vector.shape_cast %get3A_776 : vector<16xf32> to vector<1x16xf32>
        tpu.vector_store %arg13[%swap3A_777, %swap3A_778], %swap3A_781 {strides = array<i32>} : memref<32x64xf32, #tpu.memory_space<vmem>>, vector<1x16xf32>,
        %mul3A_782 = arith.constant 2.000000e-02 : f32
        %mul3A_783 = vector.broadcast %mul3A_782 : f32 to vector<16xf32>
        %mul3A_784 = arith.mulf %add3A_754, %mul3A_783 : vector<16xf32>
        %swap3A_785 = arith.index_cast %scan3A_65 : i32 to index
        %swap3A_786 = arith.constant 32 : index
        %swap3A_787 = tpu.vector_load %arg13[%swap3A_785, %swap3A_786] {strides = array<i32>} : memref<32x64xf32, #tpu.memory_space<vmem>>, vector<1x16xf32>,
        %swap3A_788 = vector.shape_cast %swap3A_787 : vector<1x16xf32> to vector<16xf32>
        %swap3A_789 = vector.shape_cast %mul3A_784 : vector<16xf32> to vector<1x16xf32>
        tpu.vector_store %arg13[%swap3A_785, %swap3A_786], %swap3A_789 {strides = array<i32>} : memref<32x64xf32, #tpu.memory_space<vmem>>, vector<1x16xf32>,
        %mul3A_790 = arith.constant 2.000000e-02 : f32
        %mul3A_791 = vector.broadcast %mul3A_790 : f32 to vector<16xf32>
        %mul3A_792 = arith.mulf %add3A_761, %mul3A_791 : vector<16xf32>
        %swap3A_793 = arith.index_cast %scan3A_65 : i32 to index
        %swap3A_794 = arith.constant 48 : index
        %swap3A_795 = tpu.vector_load %arg13[%swap3A_793, %swap3A_794] {strides = array<i32>} : memref<32x64xf32, #tpu.memory_space<vmem>>, vector<1x16xf32>,
        %swap3A_796 = vector.shape_cast %swap3A_795 : vector<1x16xf32> to vector<16xf32>
        %swap3A_797 = vector.shape_cast %mul3A_792 : vector<16xf32> to vector<1x16xf32>
        tpu.vector_store %arg13[%swap3A_793, %swap3A_794], %swap3A_797 {strides = array<i32>} : memref<32x64xf32, #tpu.memory_space<vmem>>, vector<1x16xf32>,
        %scan3A_798 = arith.constant 0 : i32
        scf.yield %scan3A_798 : i32
      }
      %scan3A_43 = arith.constant 32 : i32
      %mul3A_44 = arith.constant 32 : i32
      %mul3A_45 = arith.muli %mul3A_23, %mul3A_44 : i32
      %add3A_46 = arith.addi %mul3A_2, %mul3A_45 : i32
      "tpu.region"() ({
        %run_scoped3A = tpu.sem_alloc : memref<!tpu.dma_semaphore, #tpu.memory_space<semaphore_mem>>
        %dma_start3A_65 = arith.constant 0 : i32
        %dma_start3A_66 = tpu.memref_slice %arg6[%add3A_46, %dma_start3A_65] : memref<16384x64xf32, #tpu.memory_space<hbm>> -> memref<32x64xf32, #tpu.memory_space<hbm>>
        %dma_start3A_67 = arith.constant 0 : i32
        %dma_start3A_68 = tpu.memref_slice %arg6[%add3A_46, %dma_start3A_67] : memref<16384x64xf32, #tpu.memory_space<hbm>> -> memref<32x64xf32, #tpu.memory_space<hbm>>
        tpu.enqueue_dma source(%arg13 : memref<32x64xf32, #tpu.memory_space<vmem>>) target(%dma_start3A_68 : memref<32x64xf32, #tpu.memory_space<hbm>>) target_semaphore(%run_scoped3A : memref<!tpu.dma_semaphore, #tpu.memory_space<semaphore_mem>>)
        %dma_wait3A_69 = arith.constant 0 : i32
        %dma_wait3A_70 = tpu.memref_slice %arg6[%add3A_46, %dma_wait3A_69] : memref<16384x64xf32, #tpu.memory_space<hbm>> -> memref<32x64xf32, #tpu.memory_space<hbm>>
        %dma_wait3A_71 = arith.constant 0 : i32
        %dma_wait3A_72 = tpu.memref_slice %arg6[%add3A_46, %dma_wait3A_71] : memref<16384x64xf32, #tpu.memory_space<hbm>> -> memref<32x64xf32, #tpu.memory_space<hbm>>
        tpu.wait_dma2 semaphore(%run_scoped3A : memref<!tpu.dma_semaphore, #tpu.memory_space<semaphore_mem>>) src(%arg13 : memref<32x64xf32, #tpu.memory_space<vmem>>) dst(%dma_wait3A_72 : memref<32x64xf32, #tpu.memory_space<hbm>>)
        tpu.yield
      }) : () -> ()
      %lt3A = arith.constant 7 : i32
      %lt3A_47 = arith.cmpi slt, %scan3A_20, %lt3A : i32
      %convert_element_type3A = arith.extui %lt3A_47 : i1 to i32
      %cond3A = arith.constant 0 : i32
      %cond3A_48 = arith.cmpi ne, %convert_element_type3A, %cond3A : i32
      scf.if %cond3A_48 {
        %add3A_65 = arith.constant 2 : i32
        %add3A_66 = arith.addi %mul3A_23, %add3A_65 : i32
        %mul3A_67 = arith.constant 32 : i32
        %mul3A_68 = arith.muli %add3A_66, %mul3A_67 : i32
        %add3A_69 = arith.addi %mul3A_2, %mul3A_68 : i32
        %mul3A_70 = arith.constant 50 : i32
        %mul3A_71 = arith.muli %add3A_69, %mul3A_70 : i32
        "tpu.region"() ({
          %run_scoped3A = tpu.sem_alloc : memref<!tpu.dma_semaphore, #tpu.memory_space<semaphore_mem>>
          %dma_start3A_75 = tpu.memref_slice %arg3[%mul3A_71] : memref<819200xi32, #tpu.memory_space<hbm>> -> memref<1600xi32, #tpu.memory_space<hbm>>
          %dma_start3A_76 = tpu.memref_slice %arg3[%mul3A_71] : memref<819200xi32, #tpu.memory_space<hbm>> -> memref<1600xi32, #tpu.memory_space<hbm>>
          tpu.enqueue_dma source(%dma_start3A_76 : memref<1600xi32, #tpu.memory_space<hbm>>) target(%arg9 : memref<1600xi32, #tpu.memory_space<vmem>>) target_semaphore(%run_scoped3A : memref<!tpu.dma_semaphore, #tpu.memory_space<semaphore_mem>>)
          %dma_wait3A_77 = tpu.memref_slice %arg3[%mul3A_71] : memref<819200xi32, #tpu.memory_space<hbm>> -> memref<1600xi32, #tpu.memory_space<hbm>>
          %dma_wait3A_78 = tpu.memref_slice %arg3[%mul3A_71] : memref<819200xi32, #tpu.memory_space<hbm>> -> memref<1600xi32, #tpu.memory_space<hbm>>
          tpu.wait_dma2 semaphore(%run_scoped3A : memref<!tpu.dma_semaphore, #tpu.memory_space<semaphore_mem>>) src(%dma_wait3A_78 : memref<1600xi32, #tpu.memory_space<hbm>>) dst(%arg9 : memref<1600xi32, #tpu.memory_space<vmem>>)
          tpu.yield
        }) : () -> ()
        %dma_start3A_72 = arith.constant 0 : i32
        %dma_start3A_73 = arith.constant 0 : i32
        %dma_start3A_74 = tpu.memref_slice %arg5[%dma_start3A_72, %dma_start3A_73] : memref<10000x32xf32, #tpu.memory_space<hbm>> -> memref<10000x32xf32, #tpu.memory_space<hbm>>
        tpu.enqueue_indirect_dma source(%dma_start3A_74 : memref<10000x32xf32, #tpu.memory_space<hbm>>) target(%arg11 : memref<1600x32xf32, #tpu.memory_space<vmem>>) offsets(%arg9 : memref<1600xi32, #tpu.memory_space<vmem>>) semaphore(%arg15 : memref<!tpu.dma_semaphore, #tpu.memory_space<semaphore_mem>>)
      } else {
      }
      %dma_wait3A_49 = arith.constant 0 : i32
      %dma_wait3A_50 = arith.constant 0 : i32
      %dma_wait3A_51 = tpu.memref_slice %arg5[%dma_wait3A_49, %dma_wait3A_50] : memref<10000x32xf32, #tpu.memory_space<hbm>> -> memref<10000x32xf32, #tpu.memory_space<hbm>>
      tpu.wait_indirect_dma semaphore(%arg16 : memref<!tpu.dma_semaphore, #tpu.memory_space<semaphore_mem>>) src(%dma_wait3A_51 : memref<10000x32xf32, #tpu.memory_space<hbm>>) dst(%arg12 : memref<1600x32xf32, #tpu.memory_space<vmem>>)
      %add3A_52 = arith.constant 1 : i32
      %add3A_53 = arith.addi %mul3A_23, %add3A_52 : i32
      %scan3A_54 = arith.constant 0 : i32
      %scan3A_55 = arith.constant 0 : i32
      %scan3A_56 = arith.constant 32 : i32
      %scan3A_57 = arith.addi %scan3A_55, %scan3A_56 : i32
      %scan3A_58 = arith.constant 1 : i32
      %scan3A_59 = scf.for %scan3A_65 = %scan3A_55 to %scan3A_57 step %scan3A_58 iter_args(%scan3A_66 = %scan3A_54) -> (i32)  : i32 {
        %mul3A_67 = arith.constant 50 : i32
        %mul3A_68 = arith.muli %scan3A_65, %mul3A_67 : i32
        %get3A = arith.index_cast %mul3A_68 : i32 to index
        %get3A_69 = arith.constant 0 : index
        %get3A_70 = tpu.vector_load %arg12[%get3A, %get3A_69] {strides = array<i32>} : memref<1600x32xf32, #tpu.memory_space<vmem>>, vector<1x16xf32>,
        %get3A_71 = vector.shape_cast %get3A_70 : vector<1x16xf32> to vector<16xf32>
        %get3A_72 = arith.index_cast %mul3A_68 : i32 to index
        %get3A_73 = arith.constant 16 : index
        %get3A_74 = tpu.vector_load %arg12[%get3A_72, %get3A_73] {strides = array<i32>} : memref<1600x32xf32, #tpu.memory_space<vmem>>, vector<1x16xf32>,
        %get3A_75 = vector.shape_cast %get3A_74 : vector<1x16xf32> to vector<16xf32>
        %add3A_76 = arith.constant 1 : i32
        %add3A_77 = arith.addi %mul3A_68, %add3A_76 : i32
        %get3A_78 = arith.index_cast %add3A_77 : i32 to index
        %get3A_79 = arith.constant 0 : index
        %get3A_80 = tpu.vector_load %arg12[%get3A_78, %get3A_79] {strides = array<i32>} : memref<1600x32xf32, #tpu.memory_space<vmem>>, vector<1x16xf32>,
        %get3A_81 = vector.shape_cast %get3A_80 : vector<1x16xf32> to vector<16xf32>
        %add3A_82 = arith.addf %get3A_71, %get3A_81 : vector<16xf32>
        %add3A_83 = arith.constant 1 : i32
        %add3A_84 = arith.addi %mul3A_68, %add3A_83 : i32
        %get3A_85 = arith.index_cast %add3A_84 : i32 to index
        %get3A_86 = arith.constant 16 : index
        %get3A_87 = tpu.vector_load %arg12[%get3A_85, %get3A_86] {strides = array<i32>} : memref<1600x32xf32, #tpu.memory_space<vmem>>, vector<1x16xf32>,
        %get3A_88 = vector.shape_cast %get3A_87 : vector<1x16xf32> to vector<16xf32>
        %add3A_89 = arith.addf %get3A_75, %get3A_88 : vector<16xf32>
        %add3A_90 = arith.constant 2 : i32
        %add3A_91 = arith.addi %mul3A_68, %add3A_90 : i32
        %get3A_92 = arith.index_cast %add3A_91 : i32 to index
        %get3A_93 = arith.constant 0 : index
        %get3A_94 = tpu.vector_load %arg12[%get3A_92, %get3A_93] {strides = array<i32>} : memref<1600x32xf32, #tpu.memory_space<vmem>>, vector<1x16xf32>,
        %get3A_95 = vector.shape_cast %get3A_94 : vector<1x16xf32> to vector<16xf32>
        %add3A_96 = arith.addf %add3A_82, %get3A_95 : vector<16xf32>
        %add3A_97 = arith.constant 2 : i32
        %add3A_98 = arith.addi %mul3A_68, %add3A_97 : i32
        %get3A_99 = arith.index_cast %add3A_98 : i32 to index
        %get3A_100 = arith.constant 16 : index
        %get3A_101 = tpu.vector_load %arg12[%get3A_99, %get3A_100] {strides = array<i32>} : memref<1600x32xf32, #tpu.memory_space<vmem>>, vector<1x16xf32>,
        %get3A_102 = vector.shape_cast %get3A_101 : vector<1x16xf32> to vector<16xf32>
        %add3A_103 = arith.addf %add3A_89, %get3A_102 : vector<16xf32>
        %add3A_104 = arith.constant 3 : i32
        %add3A_105 = arith.addi %mul3A_68, %add3A_104 : i32
        %get3A_106 = arith.index_cast %add3A_105 : i32 to index
        %get3A_107 = arith.constant 0 : index
        %get3A_108 = tpu.vector_load %arg12[%get3A_106, %get3A_107] {strides = array<i32>} : memref<1600x32xf32, #tpu.memory_space<vmem>>, vector<1x16xf32>,
        %get3A_109 = vector.shape_cast %get3A_108 : vector<1x16xf32> to vector<16xf32>
        %add3A_110 = arith.addf %add3A_96, %get3A_109 : vector<16xf32>
        %add3A_111 = arith.constant 3 : i32
        %add3A_112 = arith.addi %mul3A_68, %add3A_111 : i32
        %get3A_113 = arith.index_cast %add3A_112 : i32 to index
        %get3A_114 = arith.constant 16 : index
        %get3A_115 = tpu.vector_load %arg12[%get3A_113, %get3A_114] {strides = array<i32>} : memref<1600x32xf32, #tpu.memory_space<vmem>>, vector<1x16xf32>,
        %get3A_116 = vector.shape_cast %get3A_115 : vector<1x16xf32> to vector<16xf32>
        %add3A_117 = arith.addf %add3A_103, %get3A_116 : vector<16xf32>
        %add3A_118 = arith.constant 4 : i32
        %add3A_119 = arith.addi %mul3A_68, %add3A_118 : i32
        %get3A_120 = arith.index_cast %add3A_119 : i32 to index
        %get3A_121 = arith.constant 0 : index
        %get3A_122 = tpu.vector_load %arg12[%get3A_120, %get3A_121] {strides = array<i32>} : memref<1600x32xf32, #tpu.memory_space<vmem>>, vector<1x16xf32>,
        %get3A_123 = vector.shape_cast %get3A_122 : vector<1x16xf32> to vector<16xf32>
        %add3A_124 = arith.addf %add3A_110, %get3A_123 : vector<16xf32>
        %add3A_125 = arith.constant 4 : i32
        %add3A_126 = arith.addi %mul3A_68, %add3A_125 : i32
        %get3A_127 = arith.index_cast %add3A_126 : i32 to index
        %get3A_128 = arith.constant 16 : index
        %get3A_129 = tpu.vector_load %arg12[%get3A_127, %get3A_128] {strides = array<i32>} : memref<1600x32xf32, #tpu.memory_space<vmem>>, vector<1x16xf32>,
        %get3A_130 = vector.shape_cast %get3A_129 : vector<1x16xf32> to vector<16xf32>
        %add3A_131 = arith.addf %add3A_117, %get3A_130 : vector<16xf32>
        %add3A_132 = arith.constant 5 : i32
        %add3A_133 = arith.addi %mul3A_68, %add3A_132 : i32
        %get3A_134 = arith.index_cast %add3A_133 : i32 to index
        %get3A_135 = arith.constant 0 : index
        %get3A_136 = tpu.vector_load %arg12[%get3A_134, %get3A_135] {strides = array<i32>} : memref<1600x32xf32, #tpu.memory_space<vmem>>, vector<1x16xf32>,
        %get3A_137 = vector.shape_cast %get3A_136 : vector<1x16xf32> to vector<16xf32>
        %add3A_138 = arith.addf %add3A_124, %get3A_137 : vector<16xf32>
        %add3A_139 = arith.constant 5 : i32
        %add3A_140 = arith.addi %mul3A_68, %add3A_139 : i32
        %get3A_141 = arith.index_cast %add3A_140 : i32 to index
        %get3A_142 = arith.constant 16 : index
        %get3A_143 = tpu.vector_load %arg12[%get3A_141, %get3A_142] {strides = array<i32>} : memref<1600x32xf32, #tpu.memory_space<vmem>>, vector<1x16xf32>,
        %get3A_144 = vector.shape_cast %get3A_143 : vector<1x16xf32> to vector<16xf32>
        %add3A_145 = arith.addf %add3A_131, %get3A_144 : vector<16xf32>
        %add3A_146 = arith.constant 6 : i32
        %add3A_147 = arith.addi %mul3A_68, %add3A_146 : i32
        %get3A_148 = arith.index_cast %add3A_147 : i32 to index
        %get3A_149 = arith.constant 0 : index
        %get3A_150 = tpu.vector_load %arg12[%get3A_148, %get3A_149] {strides = array<i32>} : memref<1600x32xf32, #tpu.memory_space<vmem>>, vector<1x16xf32>,
        %get3A_151 = vector.shape_cast %get3A_150 : vector<1x16xf32> to vector<16xf32>
        %add3A_152 = arith.addf %add3A_138, %get3A_151 : vector<16xf32>
        %add3A_153 = arith.constant 6 : i32
        %add3A_154 = arith.addi %mul3A_68, %add3A_153 : i32
        %get3A_155 = arith.index_cast %add3A_154 : i32 to index
        %get3A_156 = arith.constant 16 : index
        %get3A_157 = tpu.vector_load %arg12[%get3A_155, %get3A_156] {strides = array<i32>} : memref<1600x32xf32, #tpu.memory_space<vmem>>, vector<1x16xf32>,
        %get3A_158 = vector.shape_cast %get3A_157 : vector<1x16xf32> to vector<16xf32>
        %add3A_159 = arith.addf %add3A_145, %get3A_158 : vector<16xf32>
        %add3A_160 = arith.constant 7 : i32
        %add3A_161 = arith.addi %mul3A_68, %add3A_160 : i32
        %get3A_162 = arith.index_cast %add3A_161 : i32 to index
        %get3A_163 = arith.constant 0 : index
        %get3A_164 = tpu.vector_load %arg12[%get3A_162, %get3A_163] {strides = array<i32>} : memref<1600x32xf32, #tpu.memory_space<vmem>>, vector<1x16xf32>,
        %get3A_165 = vector.shape_cast %get3A_164 : vector<1x16xf32> to vector<16xf32>
        %add3A_166 = arith.addf %add3A_152, %get3A_165 : vector<16xf32>
        %add3A_167 = arith.constant 7 : i32
        %add3A_168 = arith.addi %mul3A_68, %add3A_167 : i32
        %get3A_169 = arith.index_cast %add3A_168 : i32 to index
        %get3A_170 = arith.constant 16 : index
        %get3A_171 = tpu.vector_load %arg12[%get3A_169, %get3A_170] {strides = array<i32>} : memref<1600x32xf32, #tpu.memory_space<vmem>>, vector<1x16xf32>,
        %get3A_172 = vector.shape_cast %get3A_171 : vector<1x16xf32> to vector<16xf32>
        %add3A_173 = arith.addf %add3A_159, %get3A_172 : vector<16xf32>
        %add3A_174 = arith.constant 8 : i32
        %add3A_175 = arith.addi %mul3A_68, %add3A_174 : i32
        %get3A_176 = arith.index_cast %add3A_175 : i32 to index
        %get3A_177 = arith.constant 0 : index
        %get3A_178 = tpu.vector_load %arg12[%get3A_176, %get3A_177] {strides = array<i32>} : memref<1600x32xf32, #tpu.memory_space<vmem>>, vector<1x16xf32>,
        %get3A_179 = vector.shape_cast %get3A_178 : vector<1x16xf32> to vector<16xf32>
        %add3A_180 = arith.addf %add3A_166, %get3A_179 : vector<16xf32>
        %add3A_181 = arith.constant 8 : i32
        %add3A_182 = arith.addi %mul3A_68, %add3A_181 : i32
        %get3A_183 = arith.index_cast %add3A_182 : i32 to index
        %get3A_184 = arith.constant 16 : index
        %get3A_185 = tpu.vector_load %arg12[%get3A_183, %get3A_184] {strides = array<i32>} : memref<1600x32xf32, #tpu.memory_space<vmem>>, vector<1x16xf32>,
        %get3A_186 = vector.shape_cast %get3A_185 : vector<1x16xf32> to vector<16xf32>
        %add3A_187 = arith.addf %add3A_173, %get3A_186 : vector<16xf32>
        %add3A_188 = arith.constant 9 : i32
        %add3A_189 = arith.addi %mul3A_68, %add3A_188 : i32
        %get3A_190 = arith.index_cast %add3A_189 : i32 to index
        %get3A_191 = arith.constant 0 : index
        %get3A_192 = tpu.vector_load %arg12[%get3A_190, %get3A_191] {strides = array<i32>} : memref<1600x32xf32, #tpu.memory_space<vmem>>, vector<1x16xf32>,
        %get3A_193 = vector.shape_cast %get3A_192 : vector<1x16xf32> to vector<16xf32>
        %add3A_194 = arith.addf %add3A_180, %get3A_193 : vector<16xf32>
        %add3A_195 = arith.constant 9 : i32
        %add3A_196 = arith.addi %mul3A_68, %add3A_195 : i32
        %get3A_197 = arith.index_cast %add3A_196 : i32 to index
        %get3A_198 = arith.constant 16 : index
        %get3A_199 = tpu.vector_load %arg12[%get3A_197, %get3A_198] {strides = array<i32>} : memref<1600x32xf32, #tpu.memory_space<vmem>>, vector<1x16xf32>,
        %get3A_200 = vector.shape_cast %get3A_199 : vector<1x16xf32> to vector<16xf32>
        %add3A_201 = arith.addf %add3A_187, %get3A_200 : vector<16xf32>
        %add3A_202 = arith.constant 10 : i32
        %add3A_203 = arith.addi %mul3A_68, %add3A_202 : i32
        %get3A_204 = arith.index_cast %add3A_203 : i32 to index
        %get3A_205 = arith.constant 0 : index
        %get3A_206 = tpu.vector_load %arg12[%get3A_204, %get3A_205] {strides = array<i32>} : memref<1600x32xf32, #tpu.memory_space<vmem>>, vector<1x16xf32>,
        %get3A_207 = vector.shape_cast %get3A_206 : vector<1x16xf32> to vector<16xf32>
        %add3A_208 = arith.addf %add3A_194, %get3A_207 : vector<16xf32>
        %add3A_209 = arith.constant 10 : i32
        %add3A_210 = arith.addi %mul3A_68, %add3A_209 : i32
        %get3A_211 = arith.index_cast %add3A_210 : i32 to index
        %get3A_212 = arith.constant 16 : index
        %get3A_213 = tpu.vector_load %arg12[%get3A_211, %get3A_212] {strides = array<i32>} : memref<1600x32xf32, #tpu.memory_space<vmem>>, vector<1x16xf32>,
        %get3A_214 = vector.shape_cast %get3A_213 : vector<1x16xf32> to vector<16xf32>
        %add3A_215 = arith.addf %add3A_201, %get3A_214 : vector<16xf32>
        %add3A_216 = arith.constant 11 : i32
        %add3A_217 = arith.addi %mul3A_68, %add3A_216 : i32
        %get3A_218 = arith.index_cast %add3A_217 : i32 to index
        %get3A_219 = arith.constant 0 : index
        %get3A_220 = tpu.vector_load %arg12[%get3A_218, %get3A_219] {strides = array<i32>} : memref<1600x32xf32, #tpu.memory_space<vmem>>, vector<1x16xf32>,
        %get3A_221 = vector.shape_cast %get3A_220 : vector<1x16xf32> to vector<16xf32>
        %add3A_222 = arith.addf %add3A_208, %get3A_221 : vector<16xf32>
        %add3A_223 = arith.constant 11 : i32
        %add3A_224 = arith.addi %mul3A_68, %add3A_223 : i32
        %get3A_225 = arith.index_cast %add3A_224 : i32 to index
        %get3A_226 = arith.constant 16 : index
        %get3A_227 = tpu.vector_load %arg12[%get3A_225, %get3A_226] {strides = array<i32>} : memref<1600x32xf32, #tpu.memory_space<vmem>>, vector<1x16xf32>,
        %get3A_228 = vector.shape_cast %get3A_227 : vector<1x16xf32> to vector<16xf32>
        %add3A_229 = arith.addf %add3A_215, %get3A_228 : vector<16xf32>
        %add3A_230 = arith.constant 12 : i32
        %add3A_231 = arith.addi %mul3A_68, %add3A_230 : i32
        %get3A_232 = arith.index_cast %add3A_231 : i32 to index
        %get3A_233 = arith.constant 0 : index
        %get3A_234 = tpu.vector_load %arg12[%get3A_232, %get3A_233] {strides = array<i32>} : memref<1600x32xf32, #tpu.memory_space<vmem>>, vector<1x16xf32>,
        %get3A_235 = vector.shape_cast %get3A_234 : vector<1x16xf32> to vector<16xf32>
        %add3A_236 = arith.addf %add3A_222, %get3A_235 : vector<16xf32>
        %add3A_237 = arith.constant 12 : i32
        %add3A_238 = arith.addi %mul3A_68, %add3A_237 : i32
        %get3A_239 = arith.index_cast %add3A_238 : i32 to index
        %get3A_240 = arith.constant 16 : index
        %get3A_241 = tpu.vector_load %arg12[%get3A_239, %get3A_240] {strides = array<i32>} : memref<1600x32xf32, #tpu.memory_space<vmem>>, vector<1x16xf32>,
        %get3A_242 = vector.shape_cast %get3A_241 : vector<1x16xf32> to vector<16xf32>
        %add3A_243 = arith.addf %add3A_229, %get3A_242 : vector<16xf32>
        %add3A_244 = arith.constant 13 : i32
        %add3A_245 = arith.addi %mul3A_68, %add3A_244 : i32
        %get3A_246 = arith.index_cast %add3A_245 : i32 to index
        %get3A_247 = arith.constant 0 : index
        %get3A_248 = tpu.vector_load %arg12[%get3A_246, %get3A_247] {strides = array<i32>} : memref<1600x32xf32, #tpu.memory_space<vmem>>, vector<1x16xf32>,
        %get3A_249 = vector.shape_cast %get3A_248 : vector<1x16xf32> to vector<16xf32>
        %add3A_250 = arith.addf %add3A_236, %get3A_249 : vector<16xf32>
        %add3A_251 = arith.constant 13 : i32
        %add3A_252 = arith.addi %mul3A_68, %add3A_251 : i32
        %get3A_253 = arith.index_cast %add3A_252 : i32 to index
        %get3A_254 = arith.constant 16 : index
        %get3A_255 = tpu.vector_load %arg12[%get3A_253, %get3A_254] {strides = array<i32>} : memref<1600x32xf32, #tpu.memory_space<vmem>>, vector<1x16xf32>,
        %get3A_256 = vector.shape_cast %get3A_255 : vector<1x16xf32> to vector<16xf32>
        %add3A_257 = arith.addf %add3A_243, %get3A_256 : vector<16xf32>
        %add3A_258 = arith.constant 14 : i32
        %add3A_259 = arith.addi %mul3A_68, %add3A_258 : i32
        %get3A_260 = arith.index_cast %add3A_259 : i32 to index
        %get3A_261 = arith.constant 0 : index
        %get3A_262 = tpu.vector_load %arg12[%get3A_260, %get3A_261] {strides = array<i32>} : memref<1600x32xf32, #tpu.memory_space<vmem>>, vector<1x16xf32>,
        %get3A_263 = vector.shape_cast %get3A_262 : vector<1x16xf32> to vector<16xf32>
        %add3A_264 = arith.addf %add3A_250, %get3A_263 : vector<16xf32>
        %add3A_265 = arith.constant 14 : i32
        %add3A_266 = arith.addi %mul3A_68, %add3A_265 : i32
        %get3A_267 = arith.index_cast %add3A_266 : i32 to index
        %get3A_268 = arith.constant 16 : index
        %get3A_269 = tpu.vector_load %arg12[%get3A_267, %get3A_268] {strides = array<i32>} : memref<1600x32xf32, #tpu.memory_space<vmem>>, vector<1x16xf32>,
        %get3A_270 = vector.shape_cast %get3A_269 : vector<1x16xf32> to vector<16xf32>
        %add3A_271 = arith.addf %add3A_257, %get3A_270 : vector<16xf32>
        %add3A_272 = arith.constant 15 : i32
        %add3A_273 = arith.addi %mul3A_68, %add3A_272 : i32
        %get3A_274 = arith.index_cast %add3A_273 : i32 to index
        %get3A_275 = arith.constant 0 : index
        %get3A_276 = tpu.vector_load %arg12[%get3A_274, %get3A_275] {strides = array<i32>} : memref<1600x32xf32, #tpu.memory_space<vmem>>, vector<1x16xf32>,
        %get3A_277 = vector.shape_cast %get3A_276 : vector<1x16xf32> to vector<16xf32>
        %add3A_278 = arith.addf %add3A_264, %get3A_277 : vector<16xf32>
        %add3A_279 = arith.constant 15 : i32
        %add3A_280 = arith.addi %mul3A_68, %add3A_279 : i32
        %get3A_281 = arith.index_cast %add3A_280 : i32 to index
        %get3A_282 = arith.constant 16 : index
        %get3A_283 = tpu.vector_load %arg12[%get3A_281, %get3A_282] {strides = array<i32>} : memref<1600x32xf32, #tpu.memory_space<vmem>>, vector<1x16xf32>,
        %get3A_284 = vector.shape_cast %get3A_283 : vector<1x16xf32> to vector<16xf32>
        %add3A_285 = arith.addf %add3A_271, %get3A_284 : vector<16xf32>
        %add3A_286 = arith.constant 16 : i32
        %add3A_287 = arith.addi %mul3A_68, %add3A_286 : i32
        %get3A_288 = arith.index_cast %add3A_287 : i32 to index
        %get3A_289 = arith.constant 0 : index
        %get3A_290 = tpu.vector_load %arg12[%get3A_288, %get3A_289] {strides = array<i32>} : memref<1600x32xf32, #tpu.memory_space<vmem>>, vector<1x16xf32>,
        %get3A_291 = vector.shape_cast %get3A_290 : vector<1x16xf32> to vector<16xf32>
        %add3A_292 = arith.addf %add3A_278, %get3A_291 : vector<16xf32>
        %add3A_293 = arith.constant 16 : i32
        %add3A_294 = arith.addi %mul3A_68, %add3A_293 : i32
        %get3A_295 = arith.index_cast %add3A_294 : i32 to index
        %get3A_296 = arith.constant 16 : index
        %get3A_297 = tpu.vector_load %arg12[%get3A_295, %get3A_296] {strides = array<i32>} : memref<1600x32xf32, #tpu.memory_space<vmem>>, vector<1x16xf32>,
        %get3A_298 = vector.shape_cast %get3A_297 : vector<1x16xf32> to vector<16xf32>
        %add3A_299 = arith.addf %add3A_285, %get3A_298 : vector<16xf32>
        %add3A_300 = arith.constant 17 : i32
        %add3A_301 = arith.addi %mul3A_68, %add3A_300 : i32
        %get3A_302 = arith.index_cast %add3A_301 : i32 to index
        %get3A_303 = arith.constant 0 : index
        %get3A_304 = tpu.vector_load %arg12[%get3A_302, %get3A_303] {strides = array<i32>} : memref<1600x32xf32, #tpu.memory_space<vmem>>, vector<1x16xf32>,
        %get3A_305 = vector.shape_cast %get3A_304 : vector<1x16xf32> to vector<16xf32>
        %add3A_306 = arith.addf %add3A_292, %get3A_305 : vector<16xf32>
        %add3A_307 = arith.constant 17 : i32
        %add3A_308 = arith.addi %mul3A_68, %add3A_307 : i32
        %get3A_309 = arith.index_cast %add3A_308 : i32 to index
        %get3A_310 = arith.constant 16 : index
        %get3A_311 = tpu.vector_load %arg12[%get3A_309, %get3A_310] {strides = array<i32>} : memref<1600x32xf32, #tpu.memory_space<vmem>>, vector<1x16xf32>,
        %get3A_312 = vector.shape_cast %get3A_311 : vector<1x16xf32> to vector<16xf32>
        %add3A_313 = arith.addf %add3A_299, %get3A_312 : vector<16xf32>
        %add3A_314 = arith.constant 18 : i32
        %add3A_315 = arith.addi %mul3A_68, %add3A_314 : i32
        %get3A_316 = arith.index_cast %add3A_315 : i32 to index
        %get3A_317 = arith.constant 0 : index
        %get3A_318 = tpu.vector_load %arg12[%get3A_316, %get3A_317] {strides = array<i32>} : memref<1600x32xf32, #tpu.memory_space<vmem>>, vector<1x16xf32>,
        %get3A_319 = vector.shape_cast %get3A_318 : vector<1x16xf32> to vector<16xf32>
        %add3A_320 = arith.addf %add3A_306, %get3A_319 : vector<16xf32>
        %add3A_321 = arith.constant 18 : i32
        %add3A_322 = arith.addi %mul3A_68, %add3A_321 : i32
        %get3A_323 = arith.index_cast %add3A_322 : i32 to index
        %get3A_324 = arith.constant 16 : index
        %get3A_325 = tpu.vector_load %arg12[%get3A_323, %get3A_324] {strides = array<i32>} : memref<1600x32xf32, #tpu.memory_space<vmem>>, vector<1x16xf32>,
        %get3A_326 = vector.shape_cast %get3A_325 : vector<1x16xf32> to vector<16xf32>
        %add3A_327 = arith.addf %add3A_313, %get3A_326 : vector<16xf32>
        %add3A_328 = arith.constant 19 : i32
        %add3A_329 = arith.addi %mul3A_68, %add3A_328 : i32
        %get3A_330 = arith.index_cast %add3A_329 : i32 to index
        %get3A_331 = arith.constant 0 : index
        %get3A_332 = tpu.vector_load %arg12[%get3A_330, %get3A_331] {strides = array<i32>} : memref<1600x32xf32, #tpu.memory_space<vmem>>, vector<1x16xf32>,
        %get3A_333 = vector.shape_cast %get3A_332 : vector<1x16xf32> to vector<16xf32>
        %add3A_334 = arith.addf %add3A_320, %get3A_333 : vector<16xf32>
        %add3A_335 = arith.constant 19 : i32
        %add3A_336 = arith.addi %mul3A_68, %add3A_335 : i32
        %get3A_337 = arith.index_cast %add3A_336 : i32 to index
        %get3A_338 = arith.constant 16 : index
        %get3A_339 = tpu.vector_load %arg12[%get3A_337, %get3A_338] {strides = array<i32>} : memref<1600x32xf32, #tpu.memory_space<vmem>>, vector<1x16xf32>,
        %get3A_340 = vector.shape_cast %get3A_339 : vector<1x16xf32> to vector<16xf32>
        %add3A_341 = arith.addf %add3A_327, %get3A_340 : vector<16xf32>
        %add3A_342 = arith.constant 20 : i32
        %add3A_343 = arith.addi %mul3A_68, %add3A_342 : i32
        %get3A_344 = arith.index_cast %add3A_343 : i32 to index
        %get3A_345 = arith.constant 0 : index
        %get3A_346 = tpu.vector_load %arg12[%get3A_344, %get3A_345] {strides = array<i32>} : memref<1600x32xf32, #tpu.memory_space<vmem>>, vector<1x16xf32>,
        %get3A_347 = vector.shape_cast %get3A_346 : vector<1x16xf32> to vector<16xf32>
        %add3A_348 = arith.addf %add3A_334, %get3A_347 : vector<16xf32>
        %add3A_349 = arith.constant 20 : i32
        %add3A_350 = arith.addi %mul3A_68, %add3A_349 : i32
        %get3A_351 = arith.index_cast %add3A_350 : i32 to index
        %get3A_352 = arith.constant 16 : index
        %get3A_353 = tpu.vector_load %arg12[%get3A_351, %get3A_352] {strides = array<i32>} : memref<1600x32xf32, #tpu.memory_space<vmem>>, vector<1x16xf32>,
        %get3A_354 = vector.shape_cast %get3A_353 : vector<1x16xf32> to vector<16xf32>
        %add3A_355 = arith.addf %add3A_341, %get3A_354 : vector<16xf32>
        %add3A_356 = arith.constant 21 : i32
        %add3A_357 = arith.addi %mul3A_68, %add3A_356 : i32
        %get3A_358 = arith.index_cast %add3A_357 : i32 to index
        %get3A_359 = arith.constant 0 : index
        %get3A_360 = tpu.vector_load %arg12[%get3A_358, %get3A_359] {strides = array<i32>} : memref<1600x32xf32, #tpu.memory_space<vmem>>, vector<1x16xf32>,
        %get3A_361 = vector.shape_cast %get3A_360 : vector<1x16xf32> to vector<16xf32>
        %add3A_362 = arith.addf %add3A_348, %get3A_361 : vector<16xf32>
        %add3A_363 = arith.constant 21 : i32
        %add3A_364 = arith.addi %mul3A_68, %add3A_363 : i32
        %get3A_365 = arith.index_cast %add3A_364 : i32 to index
        %get3A_366 = arith.constant 16 : index
        %get3A_367 = tpu.vector_load %arg12[%get3A_365, %get3A_366] {strides = array<i32>} : memref<1600x32xf32, #tpu.memory_space<vmem>>, vector<1x16xf32>,
        %get3A_368 = vector.shape_cast %get3A_367 : vector<1x16xf32> to vector<16xf32>
        %add3A_369 = arith.addf %add3A_355, %get3A_368 : vector<16xf32>
        %add3A_370 = arith.constant 22 : i32
        %add3A_371 = arith.addi %mul3A_68, %add3A_370 : i32
        %get3A_372 = arith.index_cast %add3A_371 : i32 to index
        %get3A_373 = arith.constant 0 : index
        %get3A_374 = tpu.vector_load %arg12[%get3A_372, %get3A_373] {strides = array<i32>} : memref<1600x32xf32, #tpu.memory_space<vmem>>, vector<1x16xf32>,
        %get3A_375 = vector.shape_cast %get3A_374 : vector<1x16xf32> to vector<16xf32>
        %add3A_376 = arith.addf %add3A_362, %get3A_375 : vector<16xf32>
        %add3A_377 = arith.constant 22 : i32
        %add3A_378 = arith.addi %mul3A_68, %add3A_377 : i32
        %get3A_379 = arith.index_cast %add3A_378 : i32 to index
        %get3A_380 = arith.constant 16 : index
        %get3A_381 = tpu.vector_load %arg12[%get3A_379, %get3A_380] {strides = array<i32>} : memref<1600x32xf32, #tpu.memory_space<vmem>>, vector<1x16xf32>,
        %get3A_382 = vector.shape_cast %get3A_381 : vector<1x16xf32> to vector<16xf32>
        %add3A_383 = arith.addf %add3A_369, %get3A_382 : vector<16xf32>
        %add3A_384 = arith.constant 23 : i32
        %add3A_385 = arith.addi %mul3A_68, %add3A_384 : i32
        %get3A_386 = arith.index_cast %add3A_385 : i32 to index
        %get3A_387 = arith.constant 0 : index
        %get3A_388 = tpu.vector_load %arg12[%get3A_386, %get3A_387] {strides = array<i32>} : memref<1600x32xf32, #tpu.memory_space<vmem>>, vector<1x16xf32>,
        %get3A_389 = vector.shape_cast %get3A_388 : vector<1x16xf32> to vector<16xf32>
        %add3A_390 = arith.addf %add3A_376, %get3A_389 : vector<16xf32>
        %add3A_391 = arith.constant 23 : i32
        %add3A_392 = arith.addi %mul3A_68, %add3A_391 : i32
        %get3A_393 = arith.index_cast %add3A_392 : i32 to index
        %get3A_394 = arith.constant 16 : index
        %get3A_395 = tpu.vector_load %arg12[%get3A_393, %get3A_394] {strides = array<i32>} : memref<1600x32xf32, #tpu.memory_space<vmem>>, vector<1x16xf32>,
        %get3A_396 = vector.shape_cast %get3A_395 : vector<1x16xf32> to vector<16xf32>
        %add3A_397 = arith.addf %add3A_383, %get3A_396 : vector<16xf32>
        %add3A_398 = arith.constant 24 : i32
        %add3A_399 = arith.addi %mul3A_68, %add3A_398 : i32
        %get3A_400 = arith.index_cast %add3A_399 : i32 to index
        %get3A_401 = arith.constant 0 : index
        %get3A_402 = tpu.vector_load %arg12[%get3A_400, %get3A_401] {strides = array<i32>} : memref<1600x32xf32, #tpu.memory_space<vmem>>, vector<1x16xf32>,
        %get3A_403 = vector.shape_cast %get3A_402 : vector<1x16xf32> to vector<16xf32>
        %add3A_404 = arith.addf %add3A_390, %get3A_403 : vector<16xf32>
        %add3A_405 = arith.constant 24 : i32
        %add3A_406 = arith.addi %mul3A_68, %add3A_405 : i32
        %get3A_407 = arith.index_cast %add3A_406 : i32 to index
        %get3A_408 = arith.constant 16 : index
        %get3A_409 = tpu.vector_load %arg12[%get3A_407, %get3A_408] {strides = array<i32>} : memref<1600x32xf32, #tpu.memory_space<vmem>>, vector<1x16xf32>,
        %get3A_410 = vector.shape_cast %get3A_409 : vector<1x16xf32> to vector<16xf32>
        %add3A_411 = arith.addf %add3A_397, %get3A_410 : vector<16xf32>
        %add3A_412 = arith.constant 25 : i32
        %add3A_413 = arith.addi %mul3A_68, %add3A_412 : i32
        %get3A_414 = arith.index_cast %add3A_413 : i32 to index
        %get3A_415 = arith.constant 0 : index
        %get3A_416 = tpu.vector_load %arg12[%get3A_414, %get3A_415] {strides = array<i32>} : memref<1600x32xf32, #tpu.memory_space<vmem>>, vector<1x16xf32>,
        %get3A_417 = vector.shape_cast %get3A_416 : vector<1x16xf32> to vector<16xf32>
        %add3A_418 = arith.addf %add3A_404, %get3A_417 : vector<16xf32>
        %add3A_419 = arith.constant 25 : i32
        %add3A_420 = arith.addi %mul3A_68, %add3A_419 : i32
        %get3A_421 = arith.index_cast %add3A_420 : i32 to index
        %get3A_422 = arith.constant 16 : index
        %get3A_423 = tpu.vector_load %arg12[%get3A_421, %get3A_422] {strides = array<i32>} : memref<1600x32xf32, #tpu.memory_space<vmem>>, vector<1x16xf32>,
        %get3A_424 = vector.shape_cast %get3A_423 : vector<1x16xf32> to vector<16xf32>
        %add3A_425 = arith.addf %add3A_411, %get3A_424 : vector<16xf32>
        %add3A_426 = arith.constant 26 : i32
        %add3A_427 = arith.addi %mul3A_68, %add3A_426 : i32
        %get3A_428 = arith.index_cast %add3A_427 : i32 to index
        %get3A_429 = arith.constant 0 : index
        %get3A_430 = tpu.vector_load %arg12[%get3A_428, %get3A_429] {strides = array<i32>} : memref<1600x32xf32, #tpu.memory_space<vmem>>, vector<1x16xf32>,
        %get3A_431 = vector.shape_cast %get3A_430 : vector<1x16xf32> to vector<16xf32>
        %add3A_432 = arith.addf %add3A_418, %get3A_431 : vector<16xf32>
        %add3A_433 = arith.constant 26 : i32
        %add3A_434 = arith.addi %mul3A_68, %add3A_433 : i32
        %get3A_435 = arith.index_cast %add3A_434 : i32 to index
        %get3A_436 = arith.constant 16 : index
        %get3A_437 = tpu.vector_load %arg12[%get3A_435, %get3A_436] {strides = array<i32>} : memref<1600x32xf32, #tpu.memory_space<vmem>>, vector<1x16xf32>,
        %get3A_438 = vector.shape_cast %get3A_437 : vector<1x16xf32> to vector<16xf32>
        %add3A_439 = arith.addf %add3A_425, %get3A_438 : vector<16xf32>
        %add3A_440 = arith.constant 27 : i32
        %add3A_441 = arith.addi %mul3A_68, %add3A_440 : i32
        %get3A_442 = arith.index_cast %add3A_441 : i32 to index
        %get3A_443 = arith.constant 0 : index
        %get3A_444 = tpu.vector_load %arg12[%get3A_442, %get3A_443] {strides = array<i32>} : memref<1600x32xf32, #tpu.memory_space<vmem>>, vector<1x16xf32>,
        %get3A_445 = vector.shape_cast %get3A_444 : vector<1x16xf32> to vector<16xf32>
        %add3A_446 = arith.addf %add3A_432, %get3A_445 : vector<16xf32>
        %add3A_447 = arith.constant 27 : i32
        %add3A_448 = arith.addi %mul3A_68, %add3A_447 : i32
        %get3A_449 = arith.index_cast %add3A_448 : i32 to index
        %get3A_450 = arith.constant 16 : index
        %get3A_451 = tpu.vector_load %arg12[%get3A_449, %get3A_450] {strides = array<i32>} : memref<1600x32xf32, #tpu.memory_space<vmem>>, vector<1x16xf32>,
        %get3A_452 = vector.shape_cast %get3A_451 : vector<1x16xf32> to vector<16xf32>
        %add3A_453 = arith.addf %add3A_439, %get3A_452 : vector<16xf32>
        %add3A_454 = arith.constant 28 : i32
        %add3A_455 = arith.addi %mul3A_68, %add3A_454 : i32
        %get3A_456 = arith.index_cast %add3A_455 : i32 to index
        %get3A_457 = arith.constant 0 : index
        %get3A_458 = tpu.vector_load %arg12[%get3A_456, %get3A_457] {strides = array<i32>} : memref<1600x32xf32, #tpu.memory_space<vmem>>, vector<1x16xf32>,
        %get3A_459 = vector.shape_cast %get3A_458 : vector<1x16xf32> to vector<16xf32>
        %add3A_460 = arith.addf %add3A_446, %get3A_459 : vector<16xf32>
        %add3A_461 = arith.constant 28 : i32
        %add3A_462 = arith.addi %mul3A_68, %add3A_461 : i32
        %get3A_463 = arith.index_cast %add3A_462 : i32 to index
        %get3A_464 = arith.constant 16 : index
        %get3A_465 = tpu.vector_load %arg12[%get3A_463, %get3A_464] {strides = array<i32>} : memref<1600x32xf32, #tpu.memory_space<vmem>>, vector<1x16xf32>,
        %get3A_466 = vector.shape_cast %get3A_465 : vector<1x16xf32> to vector<16xf32>
        %add3A_467 = arith.addf %add3A_453, %get3A_466 : vector<16xf32>
        %add3A_468 = arith.constant 29 : i32
        %add3A_469 = arith.addi %mul3A_68, %add3A_468 : i32
        %get3A_470 = arith.index_cast %add3A_469 : i32 to index
        %get3A_471 = arith.constant 0 : index
        %get3A_472 = tpu.vector_load %arg12[%get3A_470, %get3A_471] {strides = array<i32>} : memref<1600x32xf32, #tpu.memory_space<vmem>>, vector<1x16xf32>,
        %get3A_473 = vector.shape_cast %get3A_472 : vector<1x16xf32> to vector<16xf32>
        %add3A_474 = arith.addf %add3A_460, %get3A_473 : vector<16xf32>
        %add3A_475 = arith.constant 29 : i32
        %add3A_476 = arith.addi %mul3A_68, %add3A_475 : i32
        %get3A_477 = arith.index_cast %add3A_476 : i32 to index
        %get3A_478 = arith.constant 16 : index
        %get3A_479 = tpu.vector_load %arg12[%get3A_477, %get3A_478] {strides = array<i32>} : memref<1600x32xf32, #tpu.memory_space<vmem>>, vector<1x16xf32>,
        %get3A_480 = vector.shape_cast %get3A_479 : vector<1x16xf32> to vector<16xf32>
        %add3A_481 = arith.addf %add3A_467, %get3A_480 : vector<16xf32>
        %add3A_482 = arith.constant 30 : i32
        %add3A_483 = arith.addi %mul3A_68, %add3A_482 : i32
        %get3A_484 = arith.index_cast %add3A_483 : i32 to index
        %get3A_485 = arith.constant 0 : index
        %get3A_486 = tpu.vector_load %arg12[%get3A_484, %get3A_485] {strides = array<i32>} : memref<1600x32xf32, #tpu.memory_space<vmem>>, vector<1x16xf32>,
        %get3A_487 = vector.shape_cast %get3A_486 : vector<1x16xf32> to vector<16xf32>
        %add3A_488 = arith.addf %add3A_474, %get3A_487 : vector<16xf32>
        %add3A_489 = arith.constant 30 : i32
        %add3A_490 = arith.addi %mul3A_68, %add3A_489 : i32
        %get3A_491 = arith.index_cast %add3A_490 : i32 to index
        %get3A_492 = arith.constant 16 : index
        %get3A_493 = tpu.vector_load %arg12[%get3A_491, %get3A_492] {strides = array<i32>} : memref<1600x32xf32, #tpu.memory_space<vmem>>, vector<1x16xf32>,
        %get3A_494 = vector.shape_cast %get3A_493 : vector<1x16xf32> to vector<16xf32>
        %add3A_495 = arith.addf %add3A_481, %get3A_494 : vector<16xf32>
        %add3A_496 = arith.constant 31 : i32
        %add3A_497 = arith.addi %mul3A_68, %add3A_496 : i32
        %get3A_498 = arith.index_cast %add3A_497 : i32 to index
        %get3A_499 = arith.constant 0 : index
        %get3A_500 = tpu.vector_load %arg12[%get3A_498, %get3A_499] {strides = array<i32>} : memref<1600x32xf32, #tpu.memory_space<vmem>>, vector<1x16xf32>,
        %get3A_501 = vector.shape_cast %get3A_500 : vector<1x16xf32> to vector<16xf32>
        %add3A_502 = arith.addf %add3A_488, %get3A_501 : vector<16xf32>
        %add3A_503 = arith.constant 31 : i32
        %add3A_504 = arith.addi %mul3A_68, %add3A_503 : i32
        %get3A_505 = arith.index_cast %add3A_504 : i32 to index
        %get3A_506 = arith.constant 16 : index
        %get3A_507 = tpu.vector_load %arg12[%get3A_505, %get3A_506] {strides = array<i32>} : memref<1600x32xf32, #tpu.memory_space<vmem>>, vector<1x16xf32>,
        %get3A_508 = vector.shape_cast %get3A_507 : vector<1x16xf32> to vector<16xf32>
        %add3A_509 = arith.addf %add3A_495, %get3A_508 : vector<16xf32>
        %add3A_510 = arith.constant 32 : i32
        %add3A_511 = arith.addi %mul3A_68, %add3A_510 : i32
        %get3A_512 = arith.index_cast %add3A_511 : i32 to index
        %get3A_513 = arith.constant 0 : index
        %get3A_514 = tpu.vector_load %arg12[%get3A_512, %get3A_513] {strides = array<i32>} : memref<1600x32xf32, #tpu.memory_space<vmem>>, vector<1x16xf32>,
        %get3A_515 = vector.shape_cast %get3A_514 : vector<1x16xf32> to vector<16xf32>
        %add3A_516 = arith.addf %add3A_502, %get3A_515 : vector<16xf32>
        %add3A_517 = arith.constant 32 : i32
        %add3A_518 = arith.addi %mul3A_68, %add3A_517 : i32
        %get3A_519 = arith.index_cast %add3A_518 : i32 to index
        %get3A_520 = arith.constant 16 : index
        %get3A_521 = tpu.vector_load %arg12[%get3A_519, %get3A_520] {strides = array<i32>} : memref<1600x32xf32, #tpu.memory_space<vmem>>, vector<1x16xf32>,
        %get3A_522 = vector.shape_cast %get3A_521 : vector<1x16xf32> to vector<16xf32>
        %add3A_523 = arith.addf %add3A_509, %get3A_522 : vector<16xf32>
        %add3A_524 = arith.constant 33 : i32
        %add3A_525 = arith.addi %mul3A_68, %add3A_524 : i32
        %get3A_526 = arith.index_cast %add3A_525 : i32 to index
        %get3A_527 = arith.constant 0 : index
        %get3A_528 = tpu.vector_load %arg12[%get3A_526, %get3A_527] {strides = array<i32>} : memref<1600x32xf32, #tpu.memory_space<vmem>>, vector<1x16xf32>,
        %get3A_529 = vector.shape_cast %get3A_528 : vector<1x16xf32> to vector<16xf32>
        %add3A_530 = arith.addf %add3A_516, %get3A_529 : vector<16xf32>
        %add3A_531 = arith.constant 33 : i32
        %add3A_532 = arith.addi %mul3A_68, %add3A_531 : i32
        %get3A_533 = arith.index_cast %add3A_532 : i32 to index
        %get3A_534 = arith.constant 16 : index
        %get3A_535 = tpu.vector_load %arg12[%get3A_533, %get3A_534] {strides = array<i32>} : memref<1600x32xf32, #tpu.memory_space<vmem>>, vector<1x16xf32>,
        %get3A_536 = vector.shape_cast %get3A_535 : vector<1x16xf32> to vector<16xf32>
        %add3A_537 = arith.addf %add3A_523, %get3A_536 : vector<16xf32>
        %add3A_538 = arith.constant 34 : i32
        %add3A_539 = arith.addi %mul3A_68, %add3A_538 : i32
        %get3A_540 = arith.index_cast %add3A_539 : i32 to index
        %get3A_541 = arith.constant 0 : index
        %get3A_542 = tpu.vector_load %arg12[%get3A_540, %get3A_541] {strides = array<i32>} : memref<1600x32xf32, #tpu.memory_space<vmem>>, vector<1x16xf32>,
        %get3A_543 = vector.shape_cast %get3A_542 : vector<1x16xf32> to vector<16xf32>
        %add3A_544 = arith.addf %add3A_530, %get3A_543 : vector<16xf32>
        %add3A_545 = arith.constant 34 : i32
        %add3A_546 = arith.addi %mul3A_68, %add3A_545 : i32
        %get3A_547 = arith.index_cast %add3A_546 : i32 to index
        %get3A_548 = arith.constant 16 : index
        %get3A_549 = tpu.vector_load %arg12[%get3A_547, %get3A_548] {strides = array<i32>} : memref<1600x32xf32, #tpu.memory_space<vmem>>, vector<1x16xf32>,
        %get3A_550 = vector.shape_cast %get3A_549 : vector<1x16xf32> to vector<16xf32>
        %add3A_551 = arith.addf %add3A_537, %get3A_550 : vector<16xf32>
        %add3A_552 = arith.constant 35 : i32
        %add3A_553 = arith.addi %mul3A_68, %add3A_552 : i32
        %get3A_554 = arith.index_cast %add3A_553 : i32 to index
        %get3A_555 = arith.constant 0 : index
        %get3A_556 = tpu.vector_load %arg12[%get3A_554, %get3A_555] {strides = array<i32>} : memref<1600x32xf32, #tpu.memory_space<vmem>>, vector<1x16xf32>,
        %get3A_557 = vector.shape_cast %get3A_556 : vector<1x16xf32> to vector<16xf32>
        %add3A_558 = arith.addf %add3A_544, %get3A_557 : vector<16xf32>
        %add3A_559 = arith.constant 35 : i32
        %add3A_560 = arith.addi %mul3A_68, %add3A_559 : i32
        %get3A_561 = arith.index_cast %add3A_560 : i32 to index
        %get3A_562 = arith.constant 16 : index
        %get3A_563 = tpu.vector_load %arg12[%get3A_561, %get3A_562] {strides = array<i32>} : memref<1600x32xf32, #tpu.memory_space<vmem>>, vector<1x16xf32>,
        %get3A_564 = vector.shape_cast %get3A_563 : vector<1x16xf32> to vector<16xf32>
        %add3A_565 = arith.addf %add3A_551, %get3A_564 : vector<16xf32>
        %add3A_566 = arith.constant 36 : i32
        %add3A_567 = arith.addi %mul3A_68, %add3A_566 : i32
        %get3A_568 = arith.index_cast %add3A_567 : i32 to index
        %get3A_569 = arith.constant 0 : index
        %get3A_570 = tpu.vector_load %arg12[%get3A_568, %get3A_569] {strides = array<i32>} : memref<1600x32xf32, #tpu.memory_space<vmem>>, vector<1x16xf32>,
        %get3A_571 = vector.shape_cast %get3A_570 : vector<1x16xf32> to vector<16xf32>
        %add3A_572 = arith.addf %add3A_558, %get3A_571 : vector<16xf32>
        %add3A_573 = arith.constant 36 : i32
        %add3A_574 = arith.addi %mul3A_68, %add3A_573 : i32
        %get3A_575 = arith.index_cast %add3A_574 : i32 to index
        %get3A_576 = arith.constant 16 : index
        %get3A_577 = tpu.vector_load %arg12[%get3A_575, %get3A_576] {strides = array<i32>} : memref<1600x32xf32, #tpu.memory_space<vmem>>, vector<1x16xf32>,
        %get3A_578 = vector.shape_cast %get3A_577 : vector<1x16xf32> to vector<16xf32>
        %add3A_579 = arith.addf %add3A_565, %get3A_578 : vector<16xf32>
        %add3A_580 = arith.constant 37 : i32
        %add3A_581 = arith.addi %mul3A_68, %add3A_580 : i32
        %get3A_582 = arith.index_cast %add3A_581 : i32 to index
        %get3A_583 = arith.constant 0 : index
        %get3A_584 = tpu.vector_load %arg12[%get3A_582, %get3A_583] {strides = array<i32>} : memref<1600x32xf32, #tpu.memory_space<vmem>>, vector<1x16xf32>,
        %get3A_585 = vector.shape_cast %get3A_584 : vector<1x16xf32> to vector<16xf32>
        %add3A_586 = arith.addf %add3A_572, %get3A_585 : vector<16xf32>
        %add3A_587 = arith.constant 37 : i32
        %add3A_588 = arith.addi %mul3A_68, %add3A_587 : i32
        %get3A_589 = arith.index_cast %add3A_588 : i32 to index
        %get3A_590 = arith.constant 16 : index
        %get3A_591 = tpu.vector_load %arg12[%get3A_589, %get3A_590] {strides = array<i32>} : memref<1600x32xf32, #tpu.memory_space<vmem>>, vector<1x16xf32>,
        %get3A_592 = vector.shape_cast %get3A_591 : vector<1x16xf32> to vector<16xf32>
        %add3A_593 = arith.addf %add3A_579, %get3A_592 : vector<16xf32>
        %add3A_594 = arith.constant 38 : i32
        %add3A_595 = arith.addi %mul3A_68, %add3A_594 : i32
        %get3A_596 = arith.index_cast %add3A_595 : i32 to index
        %get3A_597 = arith.constant 0 : index
        %get3A_598 = tpu.vector_load %arg12[%get3A_596, %get3A_597] {strides = array<i32>} : memref<1600x32xf32, #tpu.memory_space<vmem>>, vector<1x16xf32>,
        %get3A_599 = vector.shape_cast %get3A_598 : vector<1x16xf32> to vector<16xf32>
        %add3A_600 = arith.addf %add3A_586, %get3A_599 : vector<16xf32>
        %add3A_601 = arith.constant 38 : i32
        %add3A_602 = arith.addi %mul3A_68, %add3A_601 : i32
        %get3A_603 = arith.index_cast %add3A_602 : i32 to index
        %get3A_604 = arith.constant 16 : index
        %get3A_605 = tpu.vector_load %arg12[%get3A_603, %get3A_604] {strides = array<i32>} : memref<1600x32xf32, #tpu.memory_space<vmem>>, vector<1x16xf32>,
        %get3A_606 = vector.shape_cast %get3A_605 : vector<1x16xf32> to vector<16xf32>
        %add3A_607 = arith.addf %add3A_593, %get3A_606 : vector<16xf32>
        %add3A_608 = arith.constant 39 : i32
        %add3A_609 = arith.addi %mul3A_68, %add3A_608 : i32
        %get3A_610 = arith.index_cast %add3A_609 : i32 to index
        %get3A_611 = arith.constant 0 : index
        %get3A_612 = tpu.vector_load %arg12[%get3A_610, %get3A_611] {strides = array<i32>} : memref<1600x32xf32, #tpu.memory_space<vmem>>, vector<1x16xf32>,
        %get3A_613 = vector.shape_cast %get3A_612 : vector<1x16xf32> to vector<16xf32>
        %add3A_614 = arith.addf %add3A_600, %get3A_613 : vector<16xf32>
        %add3A_615 = arith.constant 39 : i32
        %add3A_616 = arith.addi %mul3A_68, %add3A_615 : i32
        %get3A_617 = arith.index_cast %add3A_616 : i32 to index
        %get3A_618 = arith.constant 16 : index
        %get3A_619 = tpu.vector_load %arg12[%get3A_617, %get3A_618] {strides = array<i32>} : memref<1600x32xf32, #tpu.memory_space<vmem>>, vector<1x16xf32>,
        %get3A_620 = vector.shape_cast %get3A_619 : vector<1x16xf32> to vector<16xf32>
        %add3A_621 = arith.addf %add3A_607, %get3A_620 : vector<16xf32>
        %add3A_622 = arith.constant 40 : i32
        %add3A_623 = arith.addi %mul3A_68, %add3A_622 : i32
        %get3A_624 = arith.index_cast %add3A_623 : i32 to index
        %get3A_625 = arith.constant 0 : index
        %get3A_626 = tpu.vector_load %arg12[%get3A_624, %get3A_625] {strides = array<i32>} : memref<1600x32xf32, #tpu.memory_space<vmem>>, vector<1x16xf32>,
        %get3A_627 = vector.shape_cast %get3A_626 : vector<1x16xf32> to vector<16xf32>
        %add3A_628 = arith.addf %add3A_614, %get3A_627 : vector<16xf32>
        %add3A_629 = arith.constant 40 : i32
        %add3A_630 = arith.addi %mul3A_68, %add3A_629 : i32
        %get3A_631 = arith.index_cast %add3A_630 : i32 to index
        %get3A_632 = arith.constant 16 : index
        %get3A_633 = tpu.vector_load %arg12[%get3A_631, %get3A_632] {strides = array<i32>} : memref<1600x32xf32, #tpu.memory_space<vmem>>, vector<1x16xf32>,
        %get3A_634 = vector.shape_cast %get3A_633 : vector<1x16xf32> to vector<16xf32>
        %add3A_635 = arith.addf %add3A_621, %get3A_634 : vector<16xf32>
        %add3A_636 = arith.constant 41 : i32
        %add3A_637 = arith.addi %mul3A_68, %add3A_636 : i32
        %get3A_638 = arith.index_cast %add3A_637 : i32 to index
        %get3A_639 = arith.constant 0 : index
        %get3A_640 = tpu.vector_load %arg12[%get3A_638, %get3A_639] {strides = array<i32>} : memref<1600x32xf32, #tpu.memory_space<vmem>>, vector<1x16xf32>,
        %get3A_641 = vector.shape_cast %get3A_640 : vector<1x16xf32> to vector<16xf32>
        %add3A_642 = arith.addf %add3A_628, %get3A_641 : vector<16xf32>
        %add3A_643 = arith.constant 41 : i32
        %add3A_644 = arith.addi %mul3A_68, %add3A_643 : i32
        %get3A_645 = arith.index_cast %add3A_644 : i32 to index
        %get3A_646 = arith.constant 16 : index
        %get3A_647 = tpu.vector_load %arg12[%get3A_645, %get3A_646] {strides = array<i32>} : memref<1600x32xf32, #tpu.memory_space<vmem>>, vector<1x16xf32>,
        %get3A_648 = vector.shape_cast %get3A_647 : vector<1x16xf32> to vector<16xf32>
        %add3A_649 = arith.addf %add3A_635, %get3A_648 : vector<16xf32>
        %add3A_650 = arith.constant 42 : i32
        %add3A_651 = arith.addi %mul3A_68, %add3A_650 : i32
        %get3A_652 = arith.index_cast %add3A_651 : i32 to index
        %get3A_653 = arith.constant 0 : index
        %get3A_654 = tpu.vector_load %arg12[%get3A_652, %get3A_653] {strides = array<i32>} : memref<1600x32xf32, #tpu.memory_space<vmem>>, vector<1x16xf32>,
        %get3A_655 = vector.shape_cast %get3A_654 : vector<1x16xf32> to vector<16xf32>
        %add3A_656 = arith.addf %add3A_642, %get3A_655 : vector<16xf32>
        %add3A_657 = arith.constant 42 : i32
        %add3A_658 = arith.addi %mul3A_68, %add3A_657 : i32
        %get3A_659 = arith.index_cast %add3A_658 : i32 to index
        %get3A_660 = arith.constant 16 : index
        %get3A_661 = tpu.vector_load %arg12[%get3A_659, %get3A_660] {strides = array<i32>} : memref<1600x32xf32, #tpu.memory_space<vmem>>, vector<1x16xf32>,
        %get3A_662 = vector.shape_cast %get3A_661 : vector<1x16xf32> to vector<16xf32>
        %add3A_663 = arith.addf %add3A_649, %get3A_662 : vector<16xf32>
        %add3A_664 = arith.constant 43 : i32
        %add3A_665 = arith.addi %mul3A_68, %add3A_664 : i32
        %get3A_666 = arith.index_cast %add3A_665 : i32 to index
        %get3A_667 = arith.constant 0 : index
        %get3A_668 = tpu.vector_load %arg12[%get3A_666, %get3A_667] {strides = array<i32>} : memref<1600x32xf32, #tpu.memory_space<vmem>>, vector<1x16xf32>,
        %get3A_669 = vector.shape_cast %get3A_668 : vector<1x16xf32> to vector<16xf32>
        %add3A_670 = arith.addf %add3A_656, %get3A_669 : vector<16xf32>
        %add3A_671 = arith.constant 43 : i32
        %add3A_672 = arith.addi %mul3A_68, %add3A_671 : i32
        %get3A_673 = arith.index_cast %add3A_672 : i32 to index
        %get3A_674 = arith.constant 16 : index
        %get3A_675 = tpu.vector_load %arg12[%get3A_673, %get3A_674] {strides = array<i32>} : memref<1600x32xf32, #tpu.memory_space<vmem>>, vector<1x16xf32>,
        %get3A_676 = vector.shape_cast %get3A_675 : vector<1x16xf32> to vector<16xf32>
        %add3A_677 = arith.addf %add3A_663, %get3A_676 : vector<16xf32>
        %add3A_678 = arith.constant 44 : i32
        %add3A_679 = arith.addi %mul3A_68, %add3A_678 : i32
        %get3A_680 = arith.index_cast %add3A_679 : i32 to index
        %get3A_681 = arith.constant 0 : index
        %get3A_682 = tpu.vector_load %arg12[%get3A_680, %get3A_681] {strides = array<i32>} : memref<1600x32xf32, #tpu.memory_space<vmem>>, vector<1x16xf32>,
        %get3A_683 = vector.shape_cast %get3A_682 : vector<1x16xf32> to vector<16xf32>
        %add3A_684 = arith.addf %add3A_670, %get3A_683 : vector<16xf32>
        %add3A_685 = arith.constant 44 : i32
        %add3A_686 = arith.addi %mul3A_68, %add3A_685 : i32
        %get3A_687 = arith.index_cast %add3A_686 : i32 to index
        %get3A_688 = arith.constant 16 : index
        %get3A_689 = tpu.vector_load %arg12[%get3A_687, %get3A_688] {strides = array<i32>} : memref<1600x32xf32, #tpu.memory_space<vmem>>, vector<1x16xf32>,
        %get3A_690 = vector.shape_cast %get3A_689 : vector<1x16xf32> to vector<16xf32>
        %add3A_691 = arith.addf %add3A_677, %get3A_690 : vector<16xf32>
        %add3A_692 = arith.constant 45 : i32
        %add3A_693 = arith.addi %mul3A_68, %add3A_692 : i32
        %get3A_694 = arith.index_cast %add3A_693 : i32 to index
        %get3A_695 = arith.constant 0 : index
        %get3A_696 = tpu.vector_load %arg12[%get3A_694, %get3A_695] {strides = array<i32>} : memref<1600x32xf32, #tpu.memory_space<vmem>>, vector<1x16xf32>,
        %get3A_697 = vector.shape_cast %get3A_696 : vector<1x16xf32> to vector<16xf32>
        %add3A_698 = arith.addf %add3A_684, %get3A_697 : vector<16xf32>
        %add3A_699 = arith.constant 45 : i32
        %add3A_700 = arith.addi %mul3A_68, %add3A_699 : i32
        %get3A_701 = arith.index_cast %add3A_700 : i32 to index
        %get3A_702 = arith.constant 16 : index
        %get3A_703 = tpu.vector_load %arg12[%get3A_701, %get3A_702] {strides = array<i32>} : memref<1600x32xf32, #tpu.memory_space<vmem>>, vector<1x16xf32>,
        %get3A_704 = vector.shape_cast %get3A_703 : vector<1x16xf32> to vector<16xf32>
        %add3A_705 = arith.addf %add3A_691, %get3A_704 : vector<16xf32>
        %add3A_706 = arith.constant 46 : i32
        %add3A_707 = arith.addi %mul3A_68, %add3A_706 : i32
        %get3A_708 = arith.index_cast %add3A_707 : i32 to index
        %get3A_709 = arith.constant 0 : index
        %get3A_710 = tpu.vector_load %arg12[%get3A_708, %get3A_709] {strides = array<i32>} : memref<1600x32xf32, #tpu.memory_space<vmem>>, vector<1x16xf32>,
        %get3A_711 = vector.shape_cast %get3A_710 : vector<1x16xf32> to vector<16xf32>
        %add3A_712 = arith.addf %add3A_698, %get3A_711 : vector<16xf32>
        %add3A_713 = arith.constant 46 : i32
        %add3A_714 = arith.addi %mul3A_68, %add3A_713 : i32
        %get3A_715 = arith.index_cast %add3A_714 : i32 to index
        %get3A_716 = arith.constant 16 : index
        %get3A_717 = tpu.vector_load %arg12[%get3A_715, %get3A_716] {strides = array<i32>} : memref<1600x32xf32, #tpu.memory_space<vmem>>, vector<1x16xf32>,
        %get3A_718 = vector.shape_cast %get3A_717 : vector<1x16xf32> to vector<16xf32>
        %add3A_719 = arith.addf %add3A_705, %get3A_718 : vector<16xf32>
        %add3A_720 = arith.constant 47 : i32
        %add3A_721 = arith.addi %mul3A_68, %add3A_720 : i32
        %get3A_722 = arith.index_cast %add3A_721 : i32 to index
        %get3A_723 = arith.constant 0 : index
        %get3A_724 = tpu.vector_load %arg12[%get3A_722, %get3A_723] {strides = array<i32>} : memref<1600x32xf32, #tpu.memory_space<vmem>>, vector<1x16xf32>,
        %get3A_725 = vector.shape_cast %get3A_724 : vector<1x16xf32> to vector<16xf32>
        %add3A_726 = arith.addf %add3A_712, %get3A_725 : vector<16xf32>
        %add3A_727 = arith.constant 47 : i32
        %add3A_728 = arith.addi %mul3A_68, %add3A_727 : i32
        %get3A_729 = arith.index_cast %add3A_728 : i32 to index
        %get3A_730 = arith.constant 16 : index
        %get3A_731 = tpu.vector_load %arg12[%get3A_729, %get3A_730] {strides = array<i32>} : memref<1600x32xf32, #tpu.memory_space<vmem>>, vector<1x16xf32>,
        %get3A_732 = vector.shape_cast %get3A_731 : vector<1x16xf32> to vector<16xf32>
        %add3A_733 = arith.addf %add3A_719, %get3A_732 : vector<16xf32>
        %add3A_734 = arith.constant 48 : i32
        %add3A_735 = arith.addi %mul3A_68, %add3A_734 : i32
        %get3A_736 = arith.index_cast %add3A_735 : i32 to index
        %get3A_737 = arith.constant 0 : index
        %get3A_738 = tpu.vector_load %arg12[%get3A_736, %get3A_737] {strides = array<i32>} : memref<1600x32xf32, #tpu.memory_space<vmem>>, vector<1x16xf32>,
        %get3A_739 = vector.shape_cast %get3A_738 : vector<1x16xf32> to vector<16xf32>
        %add3A_740 = arith.addf %add3A_726, %get3A_739 : vector<16xf32>
        %add3A_741 = arith.constant 48 : i32
        %add3A_742 = arith.addi %mul3A_68, %add3A_741 : i32
        %get3A_743 = arith.index_cast %add3A_742 : i32 to index
        %get3A_744 = arith.constant 16 : index
        %get3A_745 = tpu.vector_load %arg12[%get3A_743, %get3A_744] {strides = array<i32>} : memref<1600x32xf32, #tpu.memory_space<vmem>>, vector<1x16xf32>,
        %get3A_746 = vector.shape_cast %get3A_745 : vector<1x16xf32> to vector<16xf32>
        %add3A_747 = arith.addf %add3A_733, %get3A_746 : vector<16xf32>
        %add3A_748 = arith.constant 49 : i32
        %add3A_749 = arith.addi %mul3A_68, %add3A_748 : i32
        %get3A_750 = arith.index_cast %add3A_749 : i32 to index
        %get3A_751 = arith.constant 0 : index
        %get3A_752 = tpu.vector_load %arg12[%get3A_750, %get3A_751] {strides = array<i32>} : memref<1600x32xf32, #tpu.memory_space<vmem>>, vector<1x16xf32>,
        %get3A_753 = vector.shape_cast %get3A_752 : vector<1x16xf32> to vector<16xf32>
        %add3A_754 = arith.addf %add3A_740, %get3A_753 : vector<16xf32>
        %add3A_755 = arith.constant 49 : i32
        %add3A_756 = arith.addi %mul3A_68, %add3A_755 : i32
        %get3A_757 = arith.index_cast %add3A_756 : i32 to index
        %get3A_758 = arith.constant 16 : index
        %get3A_759 = tpu.vector_load %arg12[%get3A_757, %get3A_758] {strides = array<i32>} : memref<1600x32xf32, #tpu.memory_space<vmem>>, vector<1x16xf32>,
        %get3A_760 = vector.shape_cast %get3A_759 : vector<1x16xf32> to vector<16xf32>
        %add3A_761 = arith.addf %add3A_747, %get3A_760 : vector<16xf32>
        %mul3A_762 = arith.constant 32 : i32
        %mul3A_763 = arith.muli %add3A_53, %mul3A_762 : i32
        %add3A_764 = arith.addi %mul3A_763, %scan3A_65 : i32
        %get3A_765 = arith.index_cast %add3A_764 : i32 to index
        %get3A_766 = arith.constant 0 : index
        %get3A_767 = tpu.vector_load %arg8[%get3A_765, %get3A_766] {strides = array<i32>} : memref<512x32xf32, #tpu.memory_space<vmem>>, vector<1x16xf32>,
        %get3A_768 = vector.shape_cast %get3A_767 : vector<1x16xf32> to vector<16xf32>
        %swap3A = arith.index_cast %scan3A_65 : i32 to index
        %swap3A_769 = arith.constant 0 : index
        %swap3A_770 = tpu.vector_load %arg13[%swap3A, %swap3A_769] {strides = array<i32>} : memref<32x64xf32, #tpu.memory_space<vmem>>, vector<1x16xf32>,
        %swap3A_771 = vector.shape_cast %swap3A_770 : vector<1x16xf32> to vector<16xf32>
        %swap3A_772 = vector.shape_cast %get3A_768 : vector<16xf32> to vector<1x16xf32>
        tpu.vector_store %arg13[%swap3A, %swap3A_769], %swap3A_772 {strides = array<i32>} : memref<32x64xf32, #tpu.memory_space<vmem>>, vector<1x16xf32>,
        %get3A_773 = arith.index_cast %add3A_764 : i32 to index
        %get3A_774 = arith.constant 16 : index
        %get3A_775 = tpu.vector_load %arg8[%get3A_773, %get3A_774] {strides = array<i32>} : memref<512x32xf32, #tpu.memory_space<vmem>>, vector<1x16xf32>,
        %get3A_776 = vector.shape_cast %get3A_775 : vector<1x16xf32> to vector<16xf32>
        %swap3A_777 = arith.index_cast %scan3A_65 : i32 to index
        %swap3A_778 = arith.constant 16 : index
        %swap3A_779 = tpu.vector_load %arg13[%swap3A_777, %swap3A_778] {strides = array<i32>} : memref<32x64xf32, #tpu.memory_space<vmem>>, vector<1x16xf32>,
        %swap3A_780 = vector.shape_cast %swap3A_779 : vector<1x16xf32> to vector<16xf32>
        %swap3A_781 = vector.shape_cast %get3A_776 : vector<16xf32> to vector<1x16xf32>
        tpu.vector_store %arg13[%swap3A_777, %swap3A_778], %swap3A_781 {strides = array<i32>} : memref<32x64xf32, #tpu.memory_space<vmem>>, vector<1x16xf32>,
        %mul3A_782 = arith.constant 2.000000e-02 : f32
        %mul3A_783 = vector.broadcast %mul3A_782 : f32 to vector<16xf32>
        %mul3A_784 = arith.mulf %add3A_754, %mul3A_783 : vector<16xf32>
        %swap3A_785 = arith.index_cast %scan3A_65 : i32 to index
        %swap3A_786 = arith.constant 32 : index
        %swap3A_787 = tpu.vector_load %arg13[%swap3A_785, %swap3A_786] {strides = array<i32>} : memref<32x64xf32, #tpu.memory_space<vmem>>, vector<1x16xf32>,
        %swap3A_788 = vector.shape_cast %swap3A_787 : vector<1x16xf32> to vector<16xf32>
        %swap3A_789 = vector.shape_cast %mul3A_784 : vector<16xf32> to vector<1x16xf32>
        tpu.vector_store %arg13[%swap3A_785, %swap3A_786], %swap3A_789 {strides = array<i32>} : memref<32x64xf32, #tpu.memory_space<vmem>>, vector<1x16xf32>,
        %mul3A_790 = arith.constant 2.000000e-02 : f32
        %mul3A_791 = vector.broadcast %mul3A_790 : f32 to vector<16xf32>
        %mul3A_792 = arith.mulf %add3A_761, %mul3A_791 : vector<16xf32>
        %swap3A_793 = arith.index_cast %scan3A_65 : i32 to index
        %swap3A_794 = arith.constant 48 : index
        %swap3A_795 = tpu.vector_load %arg13[%swap3A_793, %swap3A_794] {strides = array<i32>} : memref<32x64xf32, #tpu.memory_space<vmem>>, vector<1x16xf32>,
        %swap3A_796 = vector.shape_cast %swap3A_795 : vector<1x16xf32> to vector<16xf32>
        %swap3A_797 = vector.shape_cast %mul3A_792 : vector<16xf32> to vector<1x16xf32>
        tpu.vector_store %arg13[%swap3A_793, %swap3A_794], %swap3A_797 {strides = array<i32>} : memref<32x64xf32, #tpu.memory_space<vmem>>, vector<1x16xf32>,
        %scan3A_798 = arith.constant 0 : i32
        scf.yield %scan3A_798 : i32
      }
      %scan3A_60 = arith.constant 32 : i32
      %mul3A_61 = arith.constant 32 : i32
      %mul3A_62 = arith.muli %add3A_53, %mul3A_61 : i32
      %add3A_63 = arith.addi %mul3A_2, %mul3A_62 : i32
      "tpu.region"() ({
        %run_scoped3A = tpu.sem_alloc : memref<!tpu.dma_semaphore, #tpu.memory_space<semaphore_mem>>
        %dma_start3A_65 = arith.constant 0 : i32
        %dma_start3A_66 = tpu.memref_slice %arg6[%add3A_63, %dma_start3A_65] : memref<16384x64xf32, #tpu.memory_space<hbm>> -> memref<32x64xf32, #tpu.memory_space<hbm>>
        %dma_start3A_67 = arith.constant 0 : i32
        %dma_start3A_68 = tpu.memref_slice %arg6[%add3A_63, %dma_start3A_67] : memref<16384x64xf32, #tpu.memory_space<hbm>> -> memref<32x64xf32, #tpu.memory_space<hbm>>
        tpu.enqueue_dma source(%arg13 : memref<32x64xf32, #tpu.memory_space<vmem>>) target(%dma_start3A_68 : memref<32x64xf32, #tpu.memory_space<hbm>>) target_semaphore(%run_scoped3A : memref<!tpu.dma_semaphore, #tpu.memory_space<semaphore_mem>>)
        %dma_wait3A_69 = arith.constant 0 : i32
        %dma_wait3A_70 = tpu.memref_slice %arg6[%add3A_63, %dma_wait3A_69] : memref<16384x64xf32, #tpu.memory_space<hbm>> -> memref<32x64xf32, #tpu.memory_space<hbm>>
        %dma_wait3A_71 = arith.constant 0 : i32
        %dma_wait3A_72 = tpu.memref_slice %arg6[%add3A_63, %dma_wait3A_71] : memref<16384x64xf32, #tpu.memory_space<hbm>> -> memref<32x64xf32, #tpu.memory_space<hbm>>
        tpu.wait_dma2 semaphore(%run_scoped3A : memref<!tpu.dma_semaphore, #tpu.memory_space<semaphore_mem>>) src(%arg13 : memref<32x64xf32, #tpu.memory_space<vmem>>) dst(%dma_wait3A_72 : memref<32x64xf32, #tpu.memory_space<hbm>>)
        tpu.yield
      }) : () -> ()
      %scan3A_64 = arith.constant 0 : i32
      scf.yield %scan3A_64 : i32
    }
    %scan3A_19 = arith.constant 8 : i32
    return
  }
}

</mosaic_0001>

<sc_bundles>
// kernel: kernel.3.cloned.1.call-start
scs
__scs_entry_jumppad:
0x0: {  	(pc) =	sbr.rel $0x88, $3  }
0x1: {  	(tag) =	ssettag $0x0;
	lr =	simm.s32 $0x1  }
0x2: {  	[smem:$0x3F9D] =	sst lr;
	_ =	strace $0xD0000000  }
0x3: {  	_ = 	snop  }
0x4: {  	_ = 	snop  }
0x5: {  	_ = 	snop  }
0x6: {  	_ = 	snop  }
0x7: {  	_ = 	snop  }
__scs_overlays_trampoline_lowered:
0x8: {  	[smem:$0x3FAC] =	sst s0  }
0x9: {  	[smem:$0x3FAD] =	sst s1  }
0xa: {  	[smem:$0x3FAE] =	sst s2  }
0xb: {  	[smem:$0x3FAF] =	sst s3  }
0xc: {  	[smem:$0x3FB0] =	sst s4  }
0xd: {  	[smem:$0x3FB1] =	sst s5  }
0xe: {  	[smem:$0x3FB2] =	sst s6  }
0xf: {  	[smem:$0x3FB3] =	sst s7  }
0x10: {  	[smem:$0x3FB4] =	sst s8  }
0x11: {  	[smem:$0x3FB5] =	sst s9;
	s0 =	simm.s32 @!p0 $0x0  }
0x12: {  	s1 =	sld [smem:$0x3F9B];
	s0 =	simm.s32 @p0 $0x1  }
0x13: {  	[smem:$0x3FB6] =	sst s0;
	s0 =	simm.s32 @!p1 $0x0  }
0x14: {  	s2 =	sld [smem:$0x3F9A];
	s0 =	simm.s32 @p1 $0x1  }
0x15: {  	[smem:$0x3FB7] =	sst s0;
	s0 =	simm.s32 @!p2 $0x0  }
0x16: {  	s3 =	sld [smem:$0x3FDB];
	s0 =	simm.s32 @p2 $0x1  }
0x17: {  	s4 =	simm.s32 $0x1BF5;
	[smem:$0x3FB9] =	sst s0  }
0x18: {  	s0 =	sld [smem:$0x3F9C];
	_ =	swait.ge [sflag:s4], $0x0  }
0x19: {  	s7 =	sld [smem:$0x3F9D]  }
0x1a: {  	s8 =	sadd.s32 $0xFFFFE003, lr  }
0x1b: {  	s9 =	sadd.s32 $0xFFFFFEF7, lr;
	s5 =	simm.s32 $0xFFFFFFFF;
	p2 =	slt.u32 s8, $0xFFFFF086  }
0x1c: {  	p1 =	slt.u32 s9, $0xF7A;
	s5 =	simm.s32 @!p2 $0x0  }
0x1d: {  	s5 =	simm.s32 @p1 $0x1;
	p0 =	seq.s32 s7, s2  }
0x1e: {  	s7 =	smul.u32 @!p0 $0xF7A, s2;
	p2 =	seq.s32 @!p0 s5, $0x0  }
0x1f: {  	s9 =	smul.u32 $0xF7A, s1;
	s8 =	simm.s32 @!p0 $0x1BF5;
	p2 =	por !p2, p0  }
0x20: {  	[sflag:s8] =	ssyncset.s32 @!p0 $0xFFFFF086;
	s6 =	sadd.s32 @!p0 s3, s7;
	s7 =	simm.s32 @!p0 $0x108  }
0x21: {  	s3 =	sadd.s32 s3, s9;
	s6 =	sadd.s32 @!p0 $0x88, s6;
	s7 =	simm.s32 @p2 $0x1082  }
0x22: {  	[simem:s7], [sflag:s8] =	dma.local @!p0 [hbm:s6], $0xF7A  }
0x23: {  	s9 =	sor.u32 $0xD0000000, s2;
	s6 =	simm.s32 $0x108;
	_ =	swait.ge @!p0 [sflag:s8], $0x0  }
0x24: {  	s3 =	sadd.s32 $0x88, s3;
	s6 =	simm.s32 @!p1 $0x1082;
	[sflag:s4] =	ssyncset.s32 $0xFFFFF086  }
0x25: {  	[simem:s6], [sflag:s4] =	dma.local [hbm:s3], $0xF7A  }
0x26: {  	[smem:$0x3F9D] =	sst s1;
	(tag) =	ssettag s2;
	_ =	strace s9  }
0x27: {  	s1 =	sld [smem:$0x3FAD]  }
0x28: {  	s2 =	sld [smem:$0x3FAE]  }
0x29: {  	s4 =	sld [smem:$0x3FB0]  }
0x2a: {  	p0 =	seq.s32 s5, $0x0;
	s5 =	sld [smem:$0x3FB1]  }
0x2b: {  	s6 =	sld [smem:$0x3FB2]  }
0x2c: {  	s7 =	sld [smem:$0x3FB3]  }
0x2d: {  	s3 =	simm.s32 $0x108;
	s8 =	sld [smem:$0x3FB4]  }
0x2e: {  	s3 =	simm.s32 @!p0 $0x1082;
	s9 =	sld [smem:$0x3FB5]  }
0x2f: {  	lr =	sadd.s32 s0, s3;
	s0 =	sld [smem:$0x3FAC]  }
0x30: {  	s3 =	sld [smem:$0x3FAF]  }
0x31: {  	[smem:$0x3FB8] =	sst s10  }
0x32: {  	s10 =	sld [smem:$0x3FB6];
	_ =	sdelay $0x3  }
0x33: {  	p0 =	seq.s32 s10, $0x1;
	s10 =	sld [smem:$0x3FB8];
	_ =	sdelay $0x3  }
0x34: {  	[smem:$0x3FB8] =	sst s10  }
0x35: {  	s10 =	sld [smem:$0x3FB7];
	_ =	sdelay $0x3  }
0x36: {  	p1 =	seq.s32 s10, $0x1;
	s10 =	sld [smem:$0x3FB8];
	_ =	sdelay $0x3  }
0x37: {  	[smem:$0x3FB8] =	sst s10  }
0x38: {  	s10 =	sld [smem:$0x3FB9]  }
0x39: {  	_ = 	snop;
	(pc) =	sbr.ind lr, $3  }
0x3a: {  	_ = 	snop  }
0x3b: {  	_ = 	snop  }
0x3c: {  	p2 =	seq.s32 s10, $0x1;
	s10 =	sld [smem:$0x3FB8]  }
0x3d: {  	_ =	shalt  }
0x3e: {  	_ =	shalt  }
0x3f: {  	_ =	shalt  }
0x40: {  	_ =	shalt  }
0x41: {  	_ =	shalt  }
0x42: {  	_ =	shalt  }
0x43: {  	_ =	shalt  }
0x44: {  	_ =	shalt  }
0x45: {  	_ =	shalt  }
0x46: {  	_ =	shalt  }
0x47: {  	_ =	shalt  }
0x48: {  	_ =	shalt  }
0x49: {  	_ =	shalt  }
0x4a: {  	_ =	shalt  }
0x4b: {  	_ =	shalt  }
0x4c: {  	_ =	shalt  }
0x4d: {  	_ =	shalt  }
0x4e: {  	_ =	shalt  }
0x4f: {  	_ =	shalt  }
0x50: {  	_ =	shalt  }
0x51: {  	_ =	shalt  }
0x52: {  	_ =	shalt  }
0x53: {  	_ =	shalt  }
0x54: {  	_ =	shalt  }
0x55: {  	_ =	shalt  }
0x56: {  	_ =	shalt  }
0x57: {  	_ =	shalt  }
0x58: {  	_ =	shalt  }
0x59: {  	_ =	shalt  }
0x5a: {  	_ =	shalt  }
0x5b: {  	_ =	shalt  }
0x5c: {  	_ =	shalt  }
0x5d: {  	_ =	shalt  }
0x5e: {  	_ =	shalt  }
0x5f: {  	_ =	shalt  }
0x60: {  	_ =	shalt  }
0x61: {  	_ =	shalt  }
0x62: {  	_ =	shalt  }
0x63: {  	_ =	shalt  }
0x64: {  	_ =	shalt  }
0x65: {  	_ =	shalt  }
0x66: {  	_ =	shalt  }
0x67: {  	_ =	shalt  }
0x68: {  	_ =	shalt  }
0x69: {  	_ =	shalt  }
0x6a: {  	_ =	shalt  }
0x6b: {  	_ =	shalt  }
0x6c: {  	_ =	shalt  }
0x6d: {  	_ =	shalt  }
0x6e: {  	_ =	shalt  }
0x6f: {  	_ =	shalt  }
0x70: {  	_ =	shalt  }
0x71: {  	_ =	shalt  }
0x72: {  	_ =	shalt  }
0x73: {  	_ =	shalt  }
0x74: {  	_ =	shalt  }
0x75: {  	_ =	shalt  }
0x76: {  	_ =	shalt  }
0x77: {  	_ =	shalt  }
0x78: {  	_ =	shalt  }
0x79: {  	_ =	shalt  }
0x7a: {  	_ =	shalt  }
0x7b: {  	_ =	shalt  }
0x7c: {  	_ =	shalt  }
0x7d: {  	_ =	shalt  }
0x7e: {  	_ =	shalt  }
0x7f: {  	_ =	shalt  }
0x80: {  	_ =	shalt  }
0x81: {  	_ =	shalt  }
0x82: {  	_ =	shalt  }
0x83: {  	_ =	shalt  }
0x84: {  	_ =	shalt  }
0x85: {  	_ =	shalt  }
0x86: {  	_ =	shalt  }
0x87: {  	_ =	shalt  }
.Lfunc_end0:
.L_simem_size_0:
called_computation_lowered:
.L_overlay_start_0:
0x88: {  	s2 =	sld [smem:$0x3FD9]  }
0x89: {  	s3 =	sld [smem:$0x3FFE];
	_ =	sdelay $0x1  }
0x8a: {  	s1 =	srdreg.scid  }
0x8b: {  	s0 =	sand.u32 $0x1, s1  }
0x8c: {  	s17 =	sshll.u32 s0, $0xA;
	s2 =	sadd.s32 s3, s2  }
0x8d: {  	s2 =	sadd.s32 s2, s17  }
0x8e: {  	[smem:$0x3FC4] =	sst s2  }
0x8f: {  	_ = 	snop  }
0x90: {  	s2 =	sld [smem:$0x3FC9]  }
0x91: {  	s18 =	sld [smem:$0x3FD0];
	(tm) =	ssettm $0x1  }
0x92: {  	s4 =	sld [smem:$0x3FFB];
	_ =	sdelay $0x3  }
0x93: {  	_ =	strace s4  }
0x94: {  	s4 =	sld [smem:$0x3FFC];
	_ =	sdelay $0x3  }
0x95: {  	_ =	strace s4  }
0x96: {  	s4 =	sld [smem:$0x3FFD];
	_ =	sdelay $0x3  }
0x97: {  	_ =	strace s4  }
0x98: {  	_ =	strace $0x8FFFFFFF  }
0x99: {  	s19 =	sld [smem:$0x3FDB];
	_ =	sdelay $0x1  }
0x9a: {  	s5 =	simm.s32 $_scs_section_size  }
0x9b: {  	s6 =	simm.s32 $_size__tile_overlayer_lowered;
	s7 =	simm.s32 $_tile_overlayer_lowered  }
0x9c: {  	s22 =	simm.s32 $0x1BFF;
	s21 =	sshll.u32 s7, $0x1;
	s4 =	sadd.s32 s5, s19  }
0x9d: {  	s8 =	simm.s32 $0x0;
	s20 =	sshll.u32 s6, $0x1;
	s6 =	sadd.s32 s21, s4  }
0x9e: {  	[timem:s8], [sflag:s22] =	dma.local [hbm:s6], s20  }
0x9f: {  	_ =	swait.ge [sflag:s22], s20  }
0xa0: {  	s5 =	ssub.s32 $0x0, s20;
	[sflag:s22] =	ssyncset.done $0x0  }
0xa1: {  	[sflag:s22] =	ssyncadd.s32 s5;
	_ =	sdelay $0x1  }
0xa2: {  	s23 =	simm.s32 $0x1B8B  }
0xa3: {  	_ =	swait.ge [sflag:s23], $0x1  }
0xa4: {  	[sflag:s23] =	ssyncset.done $0x0  }
0xa5: {  	s25 =	simm.s32 $0x1B8E;
	s24 =	sld [smem:$0x3FFE];
	[sflag:s23] =	ssyncadd.s32 $0xFFFFFFFF  }
0xa6: {  	s26 =	simm.s32 $execute0_lowered;
	[smem:$0x3FD2] =	sst s25  }
0xa7: {  	s6 =	sshll.u32 s26, $0x1;
	_ =	strace $0x80000046;
	[dreg:$0x1] =	wrdreg $0xFFFFFFFF  }
0xa8: {  	s28 =	simm.s32 $_size_execute0_lowered;
	s4 =	sadd.s32 s4, s6;
	[dreg:$0x0] =	wrdreg $0x0  }
0xa9: {  	s6 =	sshll.u32 s28, $0x1;
	[dreg:$0x2] =	wrdreg s4  }
0xaa: {  	[dreg:$0x3] =	wrdreg s6  }
0xab: {  	[dreg:$0x4] =	wrdreg $0xC0  }
0xac: {  	_ =	task [dreg:s8], $0x5FFFF  }
0xad: {  	[dreg:$0x1] =	wrdreg $0xFFFFFFFF  }
0xae: {  	[dreg:$0x0] =	wrdreg $0x60  }
0xaf: {  	[dreg:$0x2] =	wrdreg s2  }
0xb0: {  	[dreg:$0x3] =	wrdreg s24  }
0xb1: {  	[dreg:$0x4] =	wrdreg s18  }
0xb2: {  	[dreg:$0x5] =	wrdreg $0x9  }
0xb3: {  	_ =	task.clear_ibuf [dreg:s8], $0x6FFFF;
	_ =	strace $0x90000046  }
0xb4: {  	s29 =	simm.s32 $0x9;
	_ =	strace $0x80000048  }
0xb5: {  	_ =	swait.ge [sflag:s29], $0x1  }
0xb6: {  	[sflag:s29] =	ssyncadd.s32 $0xFFFFFFFF  }
0xb7: {  	_ =	strace $0x90000048  }
0xb8: {  	_ =	sfence  }
0xb9: {  	s30 =	sld [smem:$0x0];
	_ =	sdelay $0x2  }
0xba: {  	s31 =	sshll.u32 s1, $0xD;
	s1 =	sshrl.u32 s1, $0x2  }
0xbb: {  	s3 =	sand.u32 $0x4000, s31;
	s1 =	sadd.s32 s1, s30  }
0xbc: {  	s0 =	sor.u32 s3, s0;
	s1 =	sshll.u32 s1, $0x11  }
0xbd: {  	s0 =	sor.u32 s1, s0  }
0xbe: {  	s0 =	sadd.s32 $0x8F2B, s0  }
0xbf: {  	[sflag:s0] =	ssyncadd.remote.s32 $0x1  }
0xc0: {  	_ =	sfence.sel $0xFFFF  }
0xc1: {  	[dreg:$0x0] =	wrdreg $0xFFFFFFFF;
	(pc) =	sbr.abs _section_cstart, $3  }
0xc2: {  	[dreg:$0x1] =	wrdreg $0xFFFFFFFF  }
0xc3: {  	_ =	task.clear_ibuf [dreg:s8], $0x2FFFF;
	_ =	strace $0x9FFFFFFF  }
0xc4: {  	(tm) =	ssettm $0x7FFFFFFF  }
0xc5: {  	_ =	shalt  }
tec
execute0_lowered:
.L_overlay_start_1:
0x0: {  	(tag) =	ssettag $0x1  }
0x1: {  	s0 =	rddreg [dreg:$0x0]  }
0x2: {  	s2 =	rddreg [dreg:$0x1]  }
0x3: {  	s1 =	rddreg [dreg:$0x2];
	s3 =	simm.s32 $0x0  }
0x4: {  	s5 =	srdreg.scid;
	s7 =	stileid.u32;
	s13 =	simm.s32 $0x4  }
0x5: {  	s15 =	simm.s32 $0x4200;
	s16 =	simm.s32 $0x640;
	s17 =	simm.s32 $0x4E80  }
0x6: {  	s18 =	simm.s32 $0x1;
	s19 =	simm.s32 $0x4840;
	s20 =	simm.s32 $0x11680  }
0x7: {  	s21 =	simm.s32 $0x2;
	s22 =	simm.s32 $0x1DE80;
	s23 =	simm.s32 $0x3  }
0x8: {  	s24 =	simm.s32 $0x0;
	[smem:$0x7FF] =	sst s3;
	s4 =	sadd.s32 $0x800, s2  }
0x9: {  	s6 =	sand.u32 $0x1, s5;
	s7 =	sshll.u32 s7, $0x1;
	s5 =	sadd.s32 $0x187400, s2  }
0xa: {  	_ =	strace $0x80000047;
	s8 =	ssub.s32 $0x2, s6;
	s10 =	sor.u32 s6, s7  }
0xb: {  	s6 =	sadd.s32 $0x19800, s2;
	s29 =	sshrl.u32 s8, $0x1;
	s9 =	smul.u32 $0xC80, s10  }
0xc: {  	s7 =	sshll.u32 s10, $0x9;
	s30 =	sshll.u32 s10, $0x6;
	s31 =	sshll.u32 s10, $0xC  }
0xd: {  	s2 =	ssub.s32 s8, s29;
	s8 =	sadd.s32 s0, s30;
	s10 =	sadd.s32 s1, s31  }
0xe: {  	s11 =	sor.u32 $0x40, s7;
	s9 =	sadd.s32 s4, s9;
	s12 =	smax.u32 s2, $0x1  }
.LBB2_1:
0xf: {  	[tilespmem:s3], [sflag:$0x4] =	stream.linear.gather [hbm4b:s8+s3], $0x200, $0x38;
	[tilespmem:$0x1E680] =	vst v63  }
0x10: {  	_ =	swait.ge [sflag:s13], $0x200  }
0x11: {  	[sflag:s13] =	ssyncset.done $0x0  }
0x12: {  	s0 =	simm.s32 $0x200;
	[sflag:s13] =	ssyncadd.s32 $0xFFFFFE00  }
0x13: {  	[tilespmem:s0], [sflag:$0x1] =	stream.indirect.gather [hbm4b:s5+s0], $0x20, s3, s0, $0xb8;
	[tilespmem:$0x1E680] =	vst v63  }
0x14: {  	_ = 	snop  }
0x15: {  	[tilespmem:s15], [sflag:$0x4] =	stream.linear.gather [hbm4b:s9+s3], $0x640, $0x38;
	[tilespmem:$0x1E680] =	vst v63  }
0x16: {  	_ =	swait.ge [sflag:s13], $0x640  }
0x17: {  	[sflag:s13] =	ssyncset.done $0x0  }
0x18: {  	[sflag:s13] =	ssyncadd.s32 $0xFFFFF9C0  }
0x19: {  	[tilespmem:s17], [sflag:$0x2] =	stream.indirect.gather [hbm4b:s6+s16], $0x20, s15, s16, $0xb8;
	[tilespmem:$0x1E680] =	vst v63  }
0x1a: {  	_ =	swait.ge [sflag:s18], $0x4000  }
0x1b: {  	s25 =	simm.s32 $0x210;
	[sflag:s18] =	ssyncset.done $0x0  }
0x1c: {  	s26 =	simm.s32 $0x600;
	s28 =	simm.s32 $0x0;
	[sflag:s18] =	ssyncadd.s32 $0xFFFFC000  }
.LBB2_2:
0x1d: {  	s30 =	sshll.u32 s28, $0x6  }
0x1e: {  	s0 =	sor.u32 s7, s30  }
0x1f: {  	s29 =	sor.u32 $0x20, s0  }
0x20: {  	s0 =	smul.u32 $0x32, s29;
	_ =	sdelay $0x1  }
0x21: {  	s0 =	sshrl.u32 s0, $0x3  }
0x22: {  	s31 =	simm.s32 $0x0;
	s0 =	sadd.s32 s4, s0  }
0x23: {  	[tilespmem:s19], [sflag:$0x4] =	stream.linear.gather [hbm4b:s0+s31], $0x640, $0x38;
	[tilespmem:$0x1E680] =	vst v63  }
0x24: {  	_ =	swait.ge [sflag:s13], $0x640  }
0x25: {  	[sflag:s13] =	ssyncset.done $0x0  }
0x26: {  	[sflag:s13] =	ssyncadd.s32 $0xFFFFF9C0  }
0x27: {  	[tilespmem:s20], [sflag:$0x3] =	stream.indirect.gather [hbm4b:s6+s16], $0x20, s19, s16, $0xb8;
	[tilespmem:$0x1E680] =	vst v63  }
0x28: {  	_ =	swait.ge [sflag:s21], $0xC800  }
0x29: {  	[sflag:s21] =	ssyncset.done $0x0  }
0x2a: {  	s2 =	simm.s32 $0x51A0;
	v0 =	vmov s25;
	s0 =	simm.s32 $0x1DEA0;
	[sflag:s21] =	ssyncadd.s32 $0xFFFF3800  }
.LBB2_3:
0x2b: {  	v1 =	vld [tilespmem:s2+$0xFFFFFCE0]  }
0x2c: {  	v2 =	vld [tilespmem:s2+$0xFFFFFCF0]  }
0x2d: {  	v3 =	vld [tilespmem:s2+$0xFFFFFD00]  }
0x2e: {  	v4 =	vld [tilespmem:s2+$0xFFFFFD10]  }
0x2f: {  	v5 =	vld [tilespmem:s2+$0xFFFFFD20]  }
0x30: {  	v6 =	vld [tilespmem:s2+$0xFFFFFD30]  }
0x31: {  	v7 =	vld [tilespmem:s2+$0xFFFFFD40]  }
0x32: {  	v8 =	vld [tilespmem:s2+$0xFFFFFD50]  }
0x33: {  	v38 =	vld [tilespmem:s2+$0xFFFFFD70];
	v1 =	vadd.f32 v3, v1  }
0x34: {  	v3 =	vld [tilespmem:s2+$0xFFFFFD60];
	v2 =	vadd.f32 v4, v2  }
0x35: {  	v39 =	vld [tilespmem:s2+$0xFFFFFD80];
	v1 =	vadd.f32 v5, v1  }
0x36: {  	v40 =	vld [tilespmem:s2+$0xFFFFFD90];
	v2 =	vadd.f32 v6, v2  }
0x37: {  	v41 =	vld [tilespmem:s2+$0xFFFFFDA0];
	v1 =	vadd.f32 v7, v1  }
0x38: {  	v42 =	vld [tilespmem:s2+$0xFFFFFDB0];
	v2 =	vadd.f32 v8, v2  }
0x39: {  	v43 =	vld [tilespmem:s2+$0xFFFFFDD0];
	v1 =	vadd.f32 v3, v1  }
0x3a: {  	v3 =	vld [tilespmem:s2+$0xFFFFFDC0];
	v2 =	vadd.f32 v38, v2  }
0x3b: {  	v44 =	vld [tilespmem:s2+$0xFFFFFDE0];
	v1 =	vadd.f32 v39, v1  }
0x3c: {  	v45 =	vld [tilespmem:s2+$0xFFFFFDF0];
	v2 =	vadd.f32 v40, v2  }
0x3d: {  	v46 =	vld [tilespmem:s2+$0xFFFFFE00];
	v1 =	vadd.f32 v41, v1  }
0x3e: {  	v47 =	vld [tilespmem:s2+$0xFFFFFE10];
	v2 =	vadd.f32 v42, v2  }
0x3f: {  	v48 =	vld [tilespmem:s2+$0xFFFFFE30];
	v1 =	vadd.f32 v3, v1  }
0x40: {  	v3 =	vld [tilespmem:s2+$0xFFFFFE20];
	v2 =	vadd.f32 v43, v2  }
0x41: {  	v49 =	vld [tilespmem:s2+$0xFFFFFE40];
	v1 =	vadd.f32 v44, v1  }
0x42: {  	v50 =	vld [tilespmem:s2+$0xFFFFFE50];
	v2 =	vadd.f32 v45, v2  }
0x43: {  	v51 =	vld [tilespmem:s2+$0xFFFFFE60];
	v1 =	vadd.f32 v46, v1  }
0x44: {  	v52 =	vld [tilespmem:s2+$0xFFFFFE70];
	v2 =	vadd.f32 v47, v2  }
0x45: {  	v53 =	vld [tilespmem:s2+$0xFFFFFE90];
	v1 =	vadd.f32 v3, v1  }
0x46: {  	v3 =	vld [tilespmem:s2+$0xFFFFFE80];
	v2 =	vadd.f32 v48, v2  }
0x47: {  	v54 =	vld [tilespmem:s2+$0xFFFFFEA0];
	v1 =	vadd.f32 v49, v1  }
0x48: {  	v55 =	vld [tilespmem:s2+$0xFFFFFEB0];
	v2 =	vadd.f32 v50, v2  }
0x49: {  	v56 =	vld [tilespmem:s2+$0xFFFFFEC0];
	v1 =	vadd.f32 v51, v1  }
0x4a: {  	v57 =	vld [tilespmem:s2+$0xFFFFFED0];
	v2 =	vadd.f32 v52, v2  }
0x4b: {  	v58 =	vld [tilespmem:s2+$0xFFFFFEF0];
	v1 =	vadd.f32 v3, v1  }
0x4c: {  	v3 =	vld [tilespmem:s2+$0xFFFFFEE0];
	v2 =	vadd.f32 v53, v2  }
0x4d: {  	v59 =	vld [tilespmem:s2+$0xFFFFFF00];
	v1 =	vadd.f32 v54, v1  }
0x4e: {  	v60 =	vld [tilespmem:s2+$0xFFFFFF10];
	v2 =	vadd.f32 v55, v2  }
0x4f: {  	v61 =	vld [tilespmem:s2+$0xFFFFFF20];
	v1 =	vadd.f32 v56, v1  }
0x50: {  	v62 =	vld [tilespmem:s2+$0xFFFFFF30];
	v2 =	vadd.f32 v57, v2  }
0x51: {  	v63 =	vld [tilespmem:s2+$0xFFFFFF50];
	v1 =	vadd.f32 v3, v1  }
0x52: {  	v3 =	vld [tilespmem:s2+$0xFFFFFF40];
	v2 =	vadd.f32 v58, v2  }
0x53: {  	v12 =	vld [tilespmem:s2+$0xFFFFFF60];
	v1 =	vadd.f32 v59, v1  }
0x54: {  	v13 =	vld [tilespmem:s2+$0xFFFFFF70];
	v2 =	vadd.f32 v60, v2  }
0x55: {  	v14 =	vld [tilespmem:s2+$0xFFFFFF80];
	v1 =	vadd.f32 v61, v1  }
0x56: {  	v15 =	vld [tilespmem:s2+$0xFFFFFF90];
	v2 =	vadd.f32 v62, v2  }
0x57: {  	v16 =	vld [tilespmem:s2+$0xFFFFFFB0];
	v1 =	vadd.f32 v3, v1  }
0x58: {  	v3 =	vld [tilespmem:s2+$0xFFFFFFA0];
	v2 =	vadd.f32 v63, v2  }
0x59: {  	v17 =	vld [tilespmem:s2+$0xFFFFFFC0];
	v1 =	vadd.f32 v12, v1  }
0x5a: {  	v18 =	vld [tilespmem:s2+$0xFFFFFFD0];
	v2 =	vadd.f32 v13, v2  }
0x5b: {  	v19 =	vld [tilespmem:s2+$0xFFFFFFE0];
	v1 =	vadd.f32 v14, v1  }
0x5c: {  	v20 =	vld [tilespmem:s2+$0xFFFFFFF0];
	v2 =	vadd.f32 v15, v2  }
0x5d: {  	v21 =	vld [tilespmem:s2+$0x10];
	v1 =	vadd.f32 v3, v1  }
0x5e: {  	v3 =	vld [tilespmem:s2+$0x0];
	v2 =	vadd.f32 v16, v2  }
0x5f: {  	v22 =	vld [tilespmem:s2+$0x20];
	v1 =	vadd.f32 v17, v1  }
0x60: {  	v23 =	vld [tilespmem:s2+$0x30];
	v2 =	vadd.f32 v18, v2  }
0x61: {  	v24 =	vld [tilespmem:s2+$0x40];
	v1 =	vadd.f32 v19, v1  }
0x62: {  	v25 =	vld [tilespmem:s2+$0x50];
	v2 =	vadd.f32 v20, v2  }
0x63: {  	v26 =	vld [tilespmem:s2+$0x70];
	v1 =	vadd.f32 v3, v1  }
0x64: {  	v3 =	vld [tilespmem:s2+$0x60];
	v2 =	vadd.f32 v21, v2  }
0x65: {  	v27 =	vld [tilespmem:s2+$0x80];
	v1 =	vadd.f32 v22, v1  }
0x66: {  	v28 =	vld [tilespmem:s2+$0x90];
	v2 =	vadd.f32 v23, v2  }
0x67: {  	v29 =	vld [tilespmem:s2+$0xA0];
	v1 =	vadd.f32 v24, v1  }
0x68: {  	v30 =	vld [tilespmem:s2+$0xB0];
	v2 =	vadd.f32 v25, v2  }
0x69: {  	v31 =	vld [tilespmem:s2+$0xD0];
	v1 =	vadd.f32 v3, v1  }
0x6a: {  	v3 =	vld [tilespmem:s2+$0xC0];
	v2 =	vadd.f32 v26, v2  }
0x6b: {  	v32 =	vld [tilespmem:s2+$0xE0];
	v1 =	vadd.f32 v27, v1  }
0x6c: {  	v33 =	vld [tilespmem:s2+$0xF0];
	v2 =	vadd.f32 v28, v2  }
0x6d: {  	v34 =	vld [tilespmem:s2+$0x100];
	v1 =	vadd.f32 v29, v1  }
0x6e: {  	v35 =	vld [tilespmem:s2+$0x110];
	v2 =	vadd.f32 v30, v2  }
0x6f: {  	v36 =	vld [tilespmem:s2+$0x130];
	v1 =	vadd.f32 v3, v1  }
0x70: {  	v3 =	vld [tilespmem:s2+$0x120];
	v2 =	vadd.f32 v31, v2  }
0x71: {  	v37 =	vld [tilespmem:s2+$0x140];
	v1 =	vadd.f32 v32, v1  }
0x72: {  	v38 =	vld [tilespmem:s2+$0x150];
	v2 =	vadd.f32 v33, v2  }
0x73: {  	v39 =	vld [tilespmem:s2+$0x160];
	v1 =	vadd.f32 v34, v1  }
0x74: {  	v40 =	vld [tilespmem:s2+$0x170];
	v2 =	vadd.f32 v35, v2  }
0x75: {  	v41 =	vld [tilespmem:s2+$0x190];
	v1 =	vadd.f32 v3, v1  }
0x76: {  	v3 =	vld [tilespmem:s2+$0x180];
	v2 =	vadd.f32 v36, v2  }
0x77: {  	v42 =	vld [tilespmem:s2+$0x1A0];
	v1 =	vadd.f32 v37, v1  }
0x78: {  	v43 =	vld [tilespmem:s2+$0x1B0];
	v2 =	vadd.f32 v38, v2  }
0x79: {  	v44 =	vld [tilespmem:s2+$0x1C0];
	v1 =	vadd.f32 v39, v1  }
0x7a: {  	v45 =	vld [tilespmem:s2+$0x1D0];
	v2 =	vadd.f32 v40, v2  }
0x7b: {  	v46 =	vld [tilespmem:s2+$0x1F0];
	v1 =	vadd.f32 v3, v1  }
0x7c: {  	v3 =	vld [tilespmem:s2+$0x1E0];
	v2 =	vadd.f32 v41, v2  }
0x7d: {  	v47 =	vld [tilespmem:s2+$0x200];
	v1 =	vadd.f32 v42, v1  }
0x7e: {  	v48 =	vld [tilespmem:s2+$0x210];
	v2 =	vadd.f32 v43, v2  }
0x7f: {  	v49 =	vld [tilespmem:s2+$0x220];
	v1 =	vadd.f32 v44, v1  }
0x80: {  	v50 =	vld [tilespmem:s2+$0x230];
	v2 =	vadd.f32 v45, v2  }
0x81: {  	v51 =	vld [tilespmem:s2+$0x250];
	v1 =	vadd.f32 v3, v1  }
0x82: {  	v3 =	vld [tilespmem:s2+$0x240];
	v2 =	vadd.f32 v46, v2  }
0x83: {  	v52 =	vld [tilespmem:s2+$0x260];
	v1 =	vadd.f32 v47, v1  }
0x84: {  	v53 =	vld [tilespmem:s2+$0x270];
	v2 =	vadd.f32 v48, v2  }
0x85: {  	v54 =	vld [tilespmem:s2+$0x280];
	v1 =	vadd.f32 v49, v1  }
0x86: {  	v55 =	vld [tilespmem:s2+$0x290];
	v2 =	vadd.f32 v50, v2  }
0x87: {  	v56 =	vld [tilespmem:s2+$0x2B0];
	v1 =	vadd.f32 v3, v1  }
0x88: {  	v3 =	vld [tilespmem:s2+$0x2A0];
	v2 =	vadd.f32 v51, v2  }
0x89: {  	v57 =	vld [tilespmem:s2+$0x2C0];
	v1 =	vadd.f32 v52, v1  }
0x8a: {  	s14 =	sshra.s32 s31, $0x2;
	v58 =	vld [tilespmem:s2+$0x2D0];
	v2 =	vadd.f32 v53, v2  }
0x8b: {  	v59 =	vld.idx.msk [tilespmem:v0+s14+$0xFFFFFFF0 ss:$0x1], $0xffff;
	v1 =	vadd.f32 v54, v1  }
0x8c: {  	v60 =	vld [tilespmem:s2+$0x2E0];
	v2 =	vadd.f32 v55, v2  }
0x8d: {  	v1 =	vadd.f32 v3, v1;
	v3 =	vld [tilespmem:s2+$0x2F0]  }
0x8e: {  	v61 =	vld [tilespmem:s2+$0x300];
	v2 =	vadd.f32 v56, v2  }
0x8f: {  	v62 =	vld [tilespmem:s2+$0x310];
	v1 =	vadd.f32 v57, v1  }
0x90: {  	[tilespmem:s0+$0xFFFFFFE0] =	vst v59;
	v2 =	vadd.f32 v58, v2  }
0x91: {  	v63 =	vld.idx.msk [tilespmem:v0+s14+$0x0 ss:$0x1], $0xffff;
	v1 =	vadd.f32 v60, v1  }
0x92: {  	v2 =	vadd.f32 v3, v2  }
0x93: {  	p0 =	sne.s32 s31, $0xF80;
	v1 =	vadd.f32 v61, v1  }
.Ltmp0:
0x94: {  	v2 =	vadd.f32 v62, v2;
	(pc) =	sbr.rel @p0 .LBB2_3-.Ltmp0, $4  }
0x95: {  	v1 =	vmul.f32 $1.999999960e-02, v1  }
0x96: {  	[tilespmem:s0+$0xFFFFFFF0] =	vst v63;
	v2 =	vmul.f32 $1.999999960e-02, v2  }
0x97: {  	[tilespmem:s0+$0x0] =	vst v1  }
0x98: {  	s31 =	sadd.s32 $0x80, s31;
	s2 =	sadd.s32 $0x640, s2;
	[tilespmem:s0+$0x10] =	vst v2;
	s0 =	sadd.s32 $0x40, s0  }
0x99: {  	s0 =	sshll.u32 s28, $0x9  }
0x9a: {  	p0 =	seq.s32 s28, $0x7;
	s0 =	sadd.s32 s0, s10  }
0x9b: {  	[hbm4b:s0+s3] =	stream.linear.scatter [tilespmem:s22], [sflag:$0x4], $0x800, $0x38;
	[tilespmem:$0x1E680] =	vst v63  }
0x9c: {  	s0 =	sadd.s32 @!p0 s30, s11  }
0x9d: {  	s0 =	smul.u32 @!p0 $0x32, s0  }
0x9e: {  	_ =	swait.ge [sflag:s13], $0x800  }
0x9f: {  	s2 =	simm.s32 @!p0 $0x0;
	[sflag:s13] =	ssyncset.done $0x0;
	s0 =	sshrl.u32 @!p0 s0, $0x3  }
0xa0: {  	s14 =	simm.s32 @!p0 $0x4200;
	[sflag:s13] =	ssyncadd.s32 $0xFFFFF800;
	s0 =	sadd.s32 @!p0 s4, s0  }
0xa1: {  	[tilespmem:s14], [sflag:$0x4] =	stream.linear.gather @!p0 [hbm4b:s0+s2], $0x640, $0x38;
	[tilespmem:$0x1E680] =	vst v63  }
0xa2: {  	s0 =	simm.s32 @!p0 $0x4  }
0xa3: {  	_ =	swait.ge @!p0 [sflag:s0], $0x640  }
0xa4: {  	[sflag:s0] =	ssyncset.done @!p0 $0x0  }
0xa5: {  	s2 =	simm.s32 @!p0 $0x4E80;
	[sflag:s0] =	ssyncadd.s32 @!p0 $0xFFFFF9C0;
	s0 =	simm.s32 @!p0 $0x640  }
0xa6: {  	[tilespmem:s2], [sflag:$0x2] =	stream.indirect.gather @!p0 [hbm4b:s6+s0], $0x20, s14, s0, $0xb8;
	[tilespmem:$0x1E680] =	vst v63  }
0xa7: {  	_ =	swait.ge [sflag:s23], $0xC800  }
0xa8: {  	s30 =	simm.s32 $0x0;
	[sflag:s23] =	ssyncset.done $0x0  }
0xa9: {  	v0 =	vmov s26;
	s0 =	simm.s32 $0x1DEA0;
	s2 =	simm.s32 $0x119A0;
	[sflag:s23] =	ssyncadd.s32 $0xFFFF3800  }
.LBB2_5:
0xaa: {  	v1 =	vld [tilespmem:s2+$0xFFFFFCE0]  }
0xab: {  	v2 =	vld [tilespmem:s2+$0xFFFFFCF0]  }
0xac: {  	v3 =	vld [tilespmem:s2+$0xFFFFFD00]  }
0xad: {  	v4 =	vld [tilespmem:s2+$0xFFFFFD10]  }
0xae: {  	v5 =	vld [tilespmem:s2+$0xFFFFFD20]  }
0xaf: {  	v6 =	vld [tilespmem:s2+$0xFFFFFD30]  }
0xb0: {  	v7 =	vld [tilespmem:s2+$0xFFFFFD40]  }
0xb1: {  	v8 =	vld [tilespmem:s2+$0xFFFFFD50]  }
0xb2: {  	v38 =	vld [tilespmem:s2+$0xFFFFFD70];
	v1 =	vadd.f32 v3, v1  }
0xb3: {  	v3 =	vld [tilespmem:s2+$0xFFFFFD60];
	v2 =	vadd.f32 v4, v2  }
0xb4: {  	v39 =	vld [tilespmem:s2+$0xFFFFFD80];
	v1 =	vadd.f32 v5, v1  }
0xb5: {  	v40 =	vld [tilespmem:s2+$0xFFFFFD90];
	v2 =	vadd.f32 v6, v2  }
0xb6: {  	v41 =	vld [tilespmem:s2+$0xFFFFFDA0];
	v1 =	vadd.f32 v7, v1  }
0xb7: {  	v42 =	vld [tilespmem:s2+$0xFFFFFDB0];
	v2 =	vadd.f32 v8, v2  }
0xb8: {  	v43 =	vld [tilespmem:s2+$0xFFFFFDD0];
	v1 =	vadd.f32 v3, v1  }
0xb9: {  	v3 =	vld [tilespmem:s2+$0xFFFFFDC0];
	v2 =	vadd.f32 v38, v2  }
0xba: {  	v44 =	vld [tilespmem:s2+$0xFFFFFDE0];
	v1 =	vadd.f32 v39, v1  }
0xbb: {  	v45 =	vld [tilespmem:s2+$0xFFFFFDF0];
	v2 =	vadd.f32 v40, v2  }
0xbc: {  	v46 =	vld [tilespmem:s2+$0xFFFFFE00];
	v1 =	vadd.f32 v41, v1  }
0xbd: {  	v47 =	vld [tilespmem:s2+$0xFFFFFE10];
	v2 =	vadd.f32 v42, v2  }
0xbe: {  	v48 =	vld [tilespmem:s2+$0xFFFFFE30];
	v1 =	vadd.f32 v3, v1  }
0xbf: {  	v3 =	vld [tilespmem:s2+$0xFFFFFE20];
	v2 =	vadd.f32 v43, v2  }
0xc0: {  	v49 =	vld [tilespmem:s2+$0xFFFFFE40];
	v1 =	vadd.f32 v44, v1  }
0xc1: {  	v50 =	vld [tilespmem:s2+$0xFFFFFE50];
	v2 =	vadd.f32 v45, v2  }
0xc2: {  	v51 =	vld [tilespmem:s2+$0xFFFFFE60];
	v1 =	vadd.f32 v46, v1  }
0xc3: {  	v52 =	vld [tilespmem:s2+$0xFFFFFE70];
	v2 =	vadd.f32 v47, v2  }
0xc4: {  	v53 =	vld [tilespmem:s2+$0xFFFFFE90];
	v1 =	vadd.f32 v3, v1  }
0xc5: {  	v3 =	vld [tilespmem:s2+$0xFFFFFE80];
	v2 =	vadd.f32 v48, v2  }
0xc6: {  	v54 =	vld [tilespmem:s2+$0xFFFFFEA0];
	v1 =	vadd.f32 v49, v1  }
0xc7: {  	v55 =	vld [tilespmem:s2+$0xFFFFFEB0];
	v2 =	vadd.f32 v50, v2  }
0xc8: {  	v56 =	vld [tilespmem:s2+$0xFFFFFEC0];
	v1 =	vadd.f32 v51, v1  }
0xc9: {  	v57 =	vld [tilespmem:s2+$0xFFFFFED0];
	v2 =	vadd.f32 v52, v2  }
0xca: {  	v58 =	vld [tilespmem:s2+$0xFFFFFEF0];
	v1 =	vadd.f32 v3, v1  }
0xcb: {  	v3 =	vld [tilespmem:s2+$0xFFFFFEE0];
	v2 =	vadd.f32 v53, v2  }
0xcc: {  	v59 =	vld [tilespmem:s2+$0xFFFFFF00];
	v1 =	vadd.f32 v54, v1  }
0xcd: {  	v60 =	vld [tilespmem:s2+$0xFFFFFF10];
	v2 =	vadd.f32 v55, v2  }
0xce: {  	v61 =	vld [tilespmem:s2+$0xFFFFFF20];
	v1 =	vadd.f32 v56, v1  }
0xcf: {  	v62 =	vld [tilespmem:s2+$0xFFFFFF30];
	v2 =	vadd.f32 v57, v2  }
0xd0: {  	v63 =	vld [tilespmem:s2+$0xFFFFFF50];
	v1 =	vadd.f32 v3, v1  }
0xd1: {  	v3 =	vld [tilespmem:s2+$0xFFFFFF40];
	v2 =	vadd.f32 v58, v2  }
0xd2: {  	v12 =	vld [tilespmem:s2+$0xFFFFFF60];
	v1 =	vadd.f32 v59, v1  }
0xd3: {  	v13 =	vld [tilespmem:s2+$0xFFFFFF70];
	v2 =	vadd.f32 v60, v2  }
0xd4: {  	v14 =	vld [tilespmem:s2+$0xFFFFFF80];
	v1 =	vadd.f32 v61, v1  }
0xd5: {  	v15 =	vld [tilespmem:s2+$0xFFFFFF90];
	v2 =	vadd.f32 v62, v2  }
0xd6: {  	v16 =	vld [tilespmem:s2+$0xFFFFFFB0];
	v1 =	vadd.f32 v3, v1  }
0xd7: {  	v3 =	vld [tilespmem:s2+$0xFFFFFFA0];
	v2 =	vadd.f32 v63, v2  }
0xd8: {  	v17 =	vld [tilespmem:s2+$0xFFFFFFC0];
	v1 =	vadd.f32 v12, v1  }
0xd9: {  	v18 =	vld [tilespmem:s2+$0xFFFFFFD0];
	v2 =	vadd.f32 v13, v2  }
0xda: {  	v19 =	vld [tilespmem:s2+$0xFFFFFFE0];
	v1 =	vadd.f32 v14, v1  }
0xdb: {  	v20 =	vld [tilespmem:s2+$0xFFFFFFF0];
	v2 =	vadd.f32 v15, v2  }
0xdc: {  	v21 =	vld [tilespmem:s2+$0x10];
	v1 =	vadd.f32 v3, v1  }
0xdd: {  	v3 =	vld [tilespmem:s2+$0x0];
	v2 =	vadd.f32 v16, v2  }
0xde: {  	v22 =	vld [tilespmem:s2+$0x20];
	v1 =	vadd.f32 v17, v1  }
0xdf: {  	v23 =	vld [tilespmem:s2+$0x30];
	v2 =	vadd.f32 v18, v2  }
0xe0: {  	v24 =	vld [tilespmem:s2+$0x40];
	v1 =	vadd.f32 v19, v1  }
0xe1: {  	v25 =	vld [tilespmem:s2+$0x50];
	v2 =	vadd.f32 v20, v2  }
0xe2: {  	v26 =	vld [tilespmem:s2+$0x70];
	v1 =	vadd.f32 v3, v1  }
0xe3: {  	v3 =	vld [tilespmem:s2+$0x60];
	v2 =	vadd.f32 v21, v2  }
0xe4: {  	v27 =	vld [tilespmem:s2+$0x80];
	v1 =	vadd.f32 v22, v1  }
0xe5: {  	v28 =	vld [tilespmem:s2+$0x90];
	v2 =	vadd.f32 v23, v2  }
0xe6: {  	v29 =	vld [tilespmem:s2+$0xA0];
	v1 =	vadd.f32 v24, v1  }
0xe7: {  	v30 =	vld [tilespmem:s2+$0xB0];
	v2 =	vadd.f32 v25, v2  }
0xe8: {  	v31 =	vld [tilespmem:s2+$0xD0];
	v1 =	vadd.f32 v3, v1  }
0xe9: {  	v3 =	vld [tilespmem:s2+$0xC0];
	v2 =	vadd.f32 v26, v2  }
0xea: {  	v32 =	vld [tilespmem:s2+$0xE0];
	v1 =	vadd.f32 v27, v1  }
0xeb: {  	v33 =	vld [tilespmem:s2+$0xF0];
	v2 =	vadd.f32 v28, v2  }
0xec: {  	v34 =	vld [tilespmem:s2+$0x100];
	v1 =	vadd.f32 v29, v1  }
0xed: {  	v35 =	vld [tilespmem:s2+$0x110];
	v2 =	vadd.f32 v30, v2  }
0xee: {  	v36 =	vld [tilespmem:s2+$0x130];
	v1 =	vadd.f32 v3, v1  }
0xef: {  	v3 =	vld [tilespmem:s2+$0x120];
	v2 =	vadd.f32 v31, v2  }
0xf0: {  	v37 =	vld [tilespmem:s2+$0x140];
	v1 =	vadd.f32 v32, v1  }
0xf1: {  	v38 =	vld [tilespmem:s2+$0x150];
	v2 =	vadd.f32 v33, v2  }
0xf2: {  	v39 =	vld [tilespmem:s2+$0x160];
	v1 =	vadd.f32 v34, v1  }
0xf3: {  	v40 =	vld [tilespmem:s2+$0x170];
	v2 =	vadd.f32 v35, v2  }
0xf4: {  	v41 =	vld [tilespmem:s2+$0x190];
	v1 =	vadd.f32 v3, v1  }
0xf5: {  	v3 =	vld [tilespmem:s2+$0x180];
	v2 =	vadd.f32 v36, v2  }
0xf6: {  	v42 =	vld [tilespmem:s2+$0x1A0];
	v1 =	vadd.f32 v37, v1  }
0xf7: {  	v43 =	vld [tilespmem:s2+$0x1B0];
	v2 =	vadd.f32 v38, v2  }
0xf8: {  	v44 =	vld [tilespmem:s2+$0x1C0];
	v1 =	vadd.f32 v39, v1  }
0xf9: {  	v45 =	vld [tilespmem:s2+$0x1D0];
	v2 =	vadd.f32 v40, v2  }
0xfa: {  	v46 =	vld [tilespmem:s2+$0x1F0];
	v1 =	vadd.f32 v3, v1  }
0xfb: {  	v3 =	vld [tilespmem:s2+$0x1E0];
	v2 =	vadd.f32 v41, v2  }
0xfc: {  	v47 =	vld [tilespmem:s2+$0x200];
	v1 =	vadd.f32 v42, v1  }
0xfd: {  	v48 =	vld [tilespmem:s2+$0x210];
	v2 =	vadd.f32 v43, v2  }
0xfe: {  	v49 =	vld [tilespmem:s2+$0x220];
	v1 =	vadd.f32 v44, v1  }
0xff: {  	v50 =	vld [tilespmem:s2+$0x230];
	v2 =	vadd.f32 v45, v2  }
0x100: {  	v51 =	vld [tilespmem:s2+$0x250];
	v1 =	vadd.f32 v3, v1  }
0x101: {  	v3 =	vld [tilespmem:s2+$0x240];
	v2 =	vadd.f32 v46, v2  }
0x102: {  	v52 =	vld [tilespmem:s2+$0x260];
	v1 =	vadd.f32 v47, v1  }
0x103: {  	v53 =	vld [tilespmem:s2+$0x270];
	v2 =	vadd.f32 v48, v2  }
0x104: {  	v54 =	vld [tilespmem:s2+$0x280];
	v1 =	vadd.f32 v49, v1  }
0x105: {  	v55 =	vld [tilespmem:s2+$0x290];
	v2 =	vadd.f32 v50, v2  }
0x106: {  	v56 =	vld [tilespmem:s2+$0x2B0];
	v1 =	vadd.f32 v3, v1  }
0x107: {  	v3 =	vld [tilespmem:s2+$0x2A0];
	v2 =	vadd.f32 v51, v2  }
0x108: {  	v57 =	vld [tilespmem:s2+$0x2C0];
	v1 =	vadd.f32 v52, v1  }
0x109: {  	s14 =	sshra.s32 s30, $0x2;
	v58 =	vld [tilespmem:s2+$0x2D0];
	v2 =	vadd.f32 v53, v2  }
0x10a: {  	v59 =	vld.idx.msk [tilespmem:v0+s14+$0x0 ss:$0x1], $0xffff;
	v1 =	vadd.f32 v54, v1  }
0x10b: {  	v60 =	vld [tilespmem:s2+$0x2E0];
	v2 =	vadd.f32 v55, v2  }
0x10c: {  	v1 =	vadd.f32 v3, v1;
	v3 =	vld [tilespmem:s2+$0x2F0]  }
0x10d: {  	v61 =	vld [tilespmem:s2+$0x300];
	v2 =	vadd.f32 v56, v2  }
0x10e: {  	v62 =	vld [tilespmem:s2+$0x310];
	v1 =	vadd.f32 v57, v1  }
0x10f: {  	[tilespmem:s0+$0xFFFFFFE0] =	vst v59;
	v2 =	vadd.f32 v58, v2  }
0x110: {  	v63 =	vld.idx.msk [tilespmem:v0+s14+$0x10 ss:$0x1], $0xffff;
	v1 =	vadd.f32 v60, v1  }
0x111: {  	v2 =	vadd.f32 v3, v2  }
0x112: {  	p0 =	sne.s32 s30, $0xF80;
	v1 =	vadd.f32 v61, v1  }
.Ltmp1:
0x113: {  	v2 =	vadd.f32 v62, v2;
	(pc) =	sbr.rel @p0 .LBB2_5-.Ltmp1, $4  }
0x114: {  	v1 =	vmul.f32 $1.999999960e-02, v1  }
0x115: {  	[tilespmem:s0+$0xFFFFFFF0] =	vst v63;
	v2 =	vmul.f32 $1.999999960e-02, v2  }
0x116: {  	[tilespmem:s0+$0x0] =	vst v1  }
0x117: {  	s30 =	sadd.s32 $0x80, s30;
	s2 =	sadd.s32 $0x640, s2;
	[tilespmem:s0+$0x10] =	vst v2;
	s0 =	sadd.s32 $0x40, s0  }
0x118: {  	s0 =	sshll.u32 s29, $0x3;
	s28 =	sadd.s32 $0x1, s28  }
0x119: {  	s0 =	sand.u32 $0x1FFFFF00, s0;
	p0 =	sne.s32 s28, $0x8  }
.Ltmp2:
0x11a: {  	s0 =	sadd.s32 s1, s0;
	(pc) =	sbr.rel @p0 .LBB2_2-.Ltmp2, $4  }
0x11b: {  	[hbm4b:s0+s3] =	stream.linear.scatter [tilespmem:s22], [sflag:$0x4], $0x800, $0x38;
	[tilespmem:$0x1E680] =	vst v63  }
0x11c: {  	_ =	swait.ge [sflag:s13], $0x800  }
0x11d: {  	[sflag:s13] =	ssyncset.done $0x0  }
0x11e: {  	s25 =	sadd.s32 $0x800, s25;
	s26 =	sadd.s32 $0x800, s26;
	[sflag:s13] =	ssyncadd.s32 $0xFFFFF800  }
0x11f: {  	s24 =	sadd.s32 $0x1, s24  }
0x120: {  	p0 =	sne.s32 s24, s12  }
.Ltmp3:
0x121: {  	_ = 	snop;
	(pc) =	sbr.rel @p0 .LBB2_1-.Ltmp3, $1  }
0x122: {  	_ =	sdelay $0x3  }
0x123: {  	_ =	sfence.sel $0x180000  }
0x124: {  	[bflag:$0x0] =	sbarrier.arrive $0xFFFF  }
0x125: {  	_ =	strace $0x90000047  }
0x126: {  	s0 =	stileid.u32;
	[bflag:$0x2] =	sbarrier.arrive $0xFFFF  }
0x127: {  	p0 =	sne.s32 s0, $0x0;
	s0 =	rddreg [dreg:$0x3]  }
0x128: {  	s0 =	sadd.s32 @!p0 $0x100000, s0  }
0x129: {  	[sflag:s0] =	ssyncadd.tile.s32 @!p0 $0x1;
	_ =	shalt  }
.Lfunc_end2:
_tile_overlayer_lowered:
.L_overlay_start_2:
0x12a: {  	(tag) =	ssettag $0x2  }
0x12b: {  	s0 =	rddreg [dreg:$0x0];
	s2 =	stileid.u32  }
0x12c: {  	s1 =	rddreg [dreg:$0x1];
	p0 =	sne.s32 s2, $0x0  }
0x12d: {  	s3 =	rddreg [dreg:$0x2];
	[bflag:$0x3] =	sbarrier.arrive $0xFFFF;
	s2 =	simm.s32 @!p0 $0x1C04  }
0x12e: {  	[timem:s3], [sflag:s2] =	dma.local @!p0 [hbm:s0], s1  }
0x12f: {  	s0 =	simm.s32 @!p0 $0x4  }
0x130: {  	_ =	swait.ge @!p0 [sflag:s0], s1  }
0x131: {  	s1 =	ssub.s32 @!p0 $0x0, s1;
	[sflag:s0] =	ssyncset.done @!p0 $0x0  }
0x132: {  	[sflag:s0] =	ssyncadd.s32 @!p0 s1  }
0x133: {  	[bflag:$0x3] =	sbarrier.arrive $0xFFFF  }
0x134: {  	_ =	shalt  }

</sc_bundles>
